<compile_context>
chip_gen: v7x
topology: tpu7x:2x2x1
jax: 0.10.2.dev20260603
libtpu: 0.0.44.dev20260713+nightly
codegen_flags: <defaults>
</compile_context>

<pallas_src>
import functools
import jax
import jax.numpy as jnp
from jax import lax
from jax.experimental import pallas as pl
from jax.experimental.pallas import tpu as pltpu
from jax.experimental.pallas import tpu_sc as plsc

_TM = 256
_LANE = 128



def _router_tile(x_ref, w1_ref, b1_ref, w2_ref, b2_ref,
                 i1_ref, i2_ref, w1o_ref, w2o_ref):
    n_e = 8
    x = x_ref[...]
    xb = x.astype(jnp.bfloat16)
    h = jnp.dot(xb, w1_ref[...].astype(jnp.bfloat16),
                preferred_element_type=jnp.float32)
    h = h + b1_ref[...]
    h = h * jax.lax.logistic(h)
    rv = jnp.dot(h, w2_ref[...], preferred_element_type=jnp.float32)
    rv = rv + b2_ref[...]
    col = jax.lax.broadcasted_iota(jnp.int32, rv.shape, 1)
    neg = jnp.float32(-jnp.inf)
    rv = jnp.where(col < n_e, rv, neg)
    m1 = jnp.max(rv, axis=1, keepdims=True)
    i1 = jnp.min(jnp.where(rv == m1, col, _LANE), axis=1, keepdims=True)
    rv2 = jnp.where(col == i1, neg, rv)
    m2 = jnp.max(rv2, axis=1, keepdims=True)
    i2 = jnp.min(jnp.where(rv2 == m2, col, _LANE), axis=1, keepdims=True)
    e2 = jnp.exp(m2 - m1)
    w1v = 1.0 / (1.0 + e2)
    i1_ref[...] = i1
    i2_ref[...] = i2
    w1o_ref[...] = w1v
    w2o_ref[...] = e2 * w1v


def _run_router(x2, W1, b1, W2, b2):
    n_tok, d = x2.shape
    n_e = W2.shape[1]
    w2p = jnp.zeros((d, _LANE), W2.dtype).at[:, :n_e].set(W2)
    b2p = jnp.zeros((1, _LANE), b2.dtype).at[:, :n_e].set(b2)
    grid = (n_tok // _TM,)
    o = jax.ShapeDtypeStruct((n_tok, 1), jnp.int32)
    of = jax.ShapeDtypeStruct((n_tok, 1), jnp.float32)
    ospec = pl.BlockSpec((_TM, 1), lambda t: (t, 0))
    return pl.pallas_call(
        _router_tile,
        grid=grid,
        in_specs=[
            pl.BlockSpec((_TM, d), lambda t: (t, 0)),
            pl.BlockSpec((d, d), lambda t: (0, 0)),
            pl.BlockSpec((1, d), lambda t: (0, 0)),
            pl.BlockSpec((d, _LANE), lambda t: (0, 0)),
            pl.BlockSpec((1, _LANE), lambda t: (0, 0)),
        ],
        out_specs=[ospec, ospec, ospec, ospec],
        out_shape=[o, o, of, of],
        compiler_params=pltpu.CompilerParams(
            dimension_semantics=("arbitrary",),
        ),
    )(x2, W1, b1.reshape(1, d), w2p, b2p)



def _jnp_binning(eid, wt, n_tok, n_e, n_pad):
    s_tot = eid.shape[0]
    cnt = jnp.bincount(eid, length=n_e)
    padded = (cnt + _TM - 1) // _TM * _TM
    off_pad = jnp.cumsum(padded) - padded
    off_sort = jnp.cumsum(cnt) - cnt
    order = jnp.argsort(eid, stable=True)
    inv = jnp.zeros((s_tot,), jnp.int32).at[order].set(
        jnp.arange(s_tot, dtype=jnp.int32))
    pos = off_pad[eid] + inv - off_sort[eid]
    src = jnp.zeros((n_pad,), jnp.int32).at[pos].set(
        jnp.arange(s_tot, dtype=jnp.int32) % n_tok)
    swt = jnp.zeros((n_pad,), jnp.float32).at[pos].set(wt)
    ends = off_pad + padded
    tile_start = jnp.arange(128, dtype=jnp.int32) * _TM
    teid = jnp.minimum(
        jnp.sum(tile_start[:, None] >= ends[None, :], axis=1), n_e - 1
    ).astype(jnp.int32)
    return src, swt, pos, teid



def _group_tile(teid_ref, xs_ref, ew_ref, eb_ref, swt_ref, ys_ref):
    xsb = xs_ref[...].astype(jnp.bfloat16)
    eo = jnp.dot(xsb, ew_ref[0].astype(jnp.bfloat16),
                 preferred_element_type=jnp.float32)
    ys_ref[...] = (eo + eb_ref[0]) * swt_ref[...]


def _run_group(xs, expert_W, expert_b, swt, teid, n_tiles):
    n_e, d, _ = expert_W.shape
    grid_spec = pltpu.PrefetchScalarGridSpec(
        num_scalar_prefetch=1,
        grid=(n_tiles,),
        in_specs=[
            pl.BlockSpec((_TM, d), lambda j, tr: (j, 0)),
            pl.BlockSpec((1, d, d), lambda j, tr: (tr[j], 0, 0)),
            pl.BlockSpec((1, 1, d), lambda j, tr: (tr[j], 0, 0)),
            pl.BlockSpec((_TM, 1), lambda j, tr: (j, 0)),
        ],
        out_specs=pl.BlockSpec((_TM, d), lambda j, tr: (j, 0)),
    )
    return pl.pallas_call(
        _group_tile,
        grid_spec=grid_spec,
        out_shape=jax.ShapeDtypeStruct((n_tiles * _TM, d), jnp.float32),
        compiler_params=pltpu.CompilerParams(
            dimension_semantics=("arbitrary",),
        ),
    )(teid, xs, expert_W, expert_b.reshape(n_e, 1, d),
      swt.reshape(-1, 1)[: n_tiles * _TM])



def kernel(x, W1, b1, W2, b2, expert_W, expert_b):
    n_b, n_f, d = x.shape
    n_e = expert_W.shape[0]
    n_tok = n_b * n_f
    s_tot = 2 * n_tok
    n_pad = s_tot + n_e * _TM
    n_tiles = n_pad // _TM
    x2 = x.reshape(n_tok, d)

    i1, i2, w1v, w2v = _run_router(x2, W1, b1, W2, b2)
    eid = jnp.concatenate([i1.reshape(n_tok), i2.reshape(n_tok)])
    wt = jnp.concatenate([w1v.reshape(n_tok), w2v.reshape(n_tok)])

    src, swt, pos, teid = _jnp_binning(eid, wt, n_tok, n_e, n_pad)
    xs = x2[src]
    ys = _run_group(xs, expert_W, expert_b, swt, teid, n_tiles)
    out = x2 + ys[pos[:n_tok]] + ys[pos[n_tok:]]
    return out.reshape(n_b, n_f, d)

# --- scband reference (transcript-rebuilt; emitter-appended) ---
"""Pipeline reference for scband-mo-econtainer-75977971466567 (READ-ONLY COPY).

The authoritative reference and input builder live on the scoring server;
editing this copy changes nothing except your own understanding.
"""

import jax, jax.numpy as jnp
import numpy as np

B, F, D, E, K = 4, 2048, 1024, 8, 2


def setup_inputs(seed: int = 0) -> dict:
    key = jax.random.key(seed)
    ks = jax.random.split(key, 7)
    s = 1.0 / np.sqrt(D)
    x = jax.random.normal(ks[0], (B, F, D), dtype=jnp.float32)
    W1 = jax.random.uniform(ks[1], (D, D), minval=-s, maxval=s, dtype=jnp.float32)
    b1 = jax.random.uniform(ks[2], (D,), minval=-s, maxval=s, dtype=jnp.float32)
    W2 = jax.random.uniform(ks[3], (D, E), minval=-s, maxval=s, dtype=jnp.float32)
    b2 = jax.random.uniform(ks[4], (E,), minval=-s, maxval=s, dtype=jnp.float32)
    expert_W = jax.random.uniform(ks[5], (E, D, D), minval=-s, maxval=s, dtype=jnp.float32)
    expert_b = jax.random.uniform(ks[6], (E, D), minval=-s, maxval=s, dtype=jnp.float32)
    return {"x": x, "W1": W1, "b1": b1, "W2": W2, "b2": b2, "expert_W": expert_W, "expert_b": expert_b}


def reference(x, W1, b1, W2, b2, expert_W, expert_b):
    n_b, n_f, d = x.shape
    n_e = expert_W.shape[0]
    x2 = x.reshape(n_b * n_f, d)
    # router: Linear -> SiLU -> Linear (eval mode: no exploration noise)
    h = jax.nn.silu(x2 @ W1 + b1)
    route_value = h @ W2 + b2
    _, route_indice = jax.lax.top_k(route_value, K)
    n_tok = route_value.shape[0]
    route_mask = jnp.zeros((n_tok, n_e), dtype=bool).at[jnp.arange(n_tok)[:, None], route_indice].set(True)
    # prepend dummy row 0 (zero token, all-experts mask, zero logits)
    xp = jnp.concatenate([jnp.zeros((1, d), x2.dtype), x2], axis=0)
    maskp = jnp.concatenate([jnp.ones((1, n_e), dtype=bool), route_mask], axis=0)
    rvp = jnp.concatenate([jnp.zeros((1, n_e), route_value.dtype), route_value], axis=0)
    route_weight = jax.nn.softmax(jnp.where(maskp, rvp, -jnp.inf), axis=1)
    y = xp
    for e in range(n_e):
        e_output = xp @ expert_W[e] + expert_b[e]
        e_weight = route_weight[:, e][:, None]
        contrib = jnp.where(maskp[:, e][:, None], e_output * e_weight, jnp.zeros_like(e_output))
        y = y + contrib
    y = y[1:, :]
    return y.reshape(n_b, n_f, d)

if __name__ == "__main__":
    import jax
    _d = setup_inputs()
    print(jax.jit(kernel)(*tuple(_d.values())))

</pallas_src>

<mosaic_0001>
module attributes {stable_mosaic.version = 14 : i64} {
  func.func @_router_tile(%arg0: i32, %arg1: memref<256x1024xf32, #tpu.memory_space<vmem>>, %arg2: memref<1024x1024xf32, #tpu.memory_space<vmem>>, %arg3: memref<1x1024xf32, #tpu.memory_space<vmem>>, %arg4: memref<1024x128xf32, #tpu.memory_space<vmem>>, %arg5: memref<1x128xf32, #tpu.memory_space<vmem>>, %arg6: memref<256x1xi32, #tpu.memory_space<vmem>>, %arg7: memref<256x1xi32, #tpu.memory_space<vmem>>, %arg8: memref<256x1xf32, #tpu.memory_space<vmem>>, %arg9: memref<256x1xf32, #tpu.memory_space<vmem>>) attributes {dimension_semantics = [#tpu.dimension_semantics<arbitrary>], iteration_bounds = array<i64: 32>, scalar_prefetch = 0 : i64, scratch_operands = 0 : i64, tpu.core_type = #tpu.core_type<tc>, window_params = [{transform_indices = @transform_0, window_bounds = array<i64: 256, 1024>}, {pipeline_mode = #tpu.pipeline_mode<synchronous>, transform_indices = @transform_1, window_bounds = array<i64: 1024, 1024>}, {pipeline_mode = #tpu.pipeline_mode<synchronous>, transform_indices = @transform_2, window_bounds = array<i64: 1, 1024>}, {pipeline_mode = #tpu.pipeline_mode<synchronous>, transform_indices = @transform_3, window_bounds = array<i64: 1024, 128>}, {pipeline_mode = #tpu.pipeline_mode<synchronous>, transform_indices = @transform_4, window_bounds = array<i64: 1, 128>}, {transform_indices = @transform_5, window_bounds = array<i64: 256, 1>}, {transform_indices = @transform_6, window_bounds = array<i64: 256, 1>}, {transform_indices = @transform_7, window_bounds = array<i64: 256, 1>}, {transform_indices = @transform_8, window_bounds = array<i64: 256, 1>}]} {
    %get3A = arith.constant 0 : index
    %get3A_0 = arith.constant 0 : index
    %get3A_1 = vector.load %arg1[%get3A, %get3A_0] : memref<256x1024xf32, #tpu.memory_space<vmem>>, vector<256x1024xf32>
    %convert_element_type3A = arith.truncf %get3A_1 : vector<256x1024xf32> to vector<256x1024xbf16>
    %get3A_2 = arith.constant 0 : index
    %get3A_3 = arith.constant 0 : index
    %get3A_4 = vector.load %arg2[%get3A_2, %get3A_3] : memref<1024x1024xf32, #tpu.memory_space<vmem>>, vector<1024x1024xf32>
    %convert_element_type3A_5 = arith.truncf %get3A_4 : vector<1024x1024xf32> to vector<1024x1024xbf16>
    %dot_general3A = arith.constant dense<0.000000e+00> : vector<256x1024xf32>
    %dot_general3A_6 = tpu.matmul %convert_element_type3A, %convert_element_type3A_5, %dot_general3A {dimension_numbers = #tpu.dot_dimension_numbers<[1], [0], [0], [1], [0, 0, 1, 1], [], []>, transpose_lhs_hint = false} : vector<256x1024xbf16>, vector<1024x1024xbf16>, vector<256x1024xf32> -> vector<256x1024xf32>
    %get3A_7 = arith.constant 0 : index
    %get3A_8 = arith.constant 0 : index
    %get3A_9 = vector.load %arg3[%get3A_7, %get3A_8] : memref<1x1024xf32, #tpu.memory_space<vmem>>, vector<1x1024xf32>
    %add3A = vector.broadcast %get3A_9 : vector<1x1024xf32> to vector<256x1024xf32>
    %add3A_10 = arith.addf %dot_general3A_6, %add3A : vector<256x1024xf32>
    %logistic3A = arith.negf %add3A_10 : vector<256x1024xf32>
    %logistic3A_11 = math.exp %logistic3A : vector<256x1024xf32>
    %logistic3A_12 = arith.constant 1.000000e+00 : f32
    %logistic3A_13 = vector.broadcast %logistic3A_12 : f32 to vector<256x1024xf32>
    %logistic3A_14 = arith.addf %logistic3A_13, %logistic3A_11 : vector<256x1024xf32>
    %logistic3A_15 = arith.divf %logistic3A_13, %logistic3A_14 : vector<256x1024xf32>
    %mul3A = arith.mulf %add3A_10, %logistic3A_15 : vector<256x1024xf32>
    %get3A_16 = arith.constant 0 : index
    %get3A_17 = arith.constant 0 : index
    %get3A_18 = vector.load %arg4[%get3A_16, %get3A_17] : memref<1024x128xf32, #tpu.memory_space<vmem>>, vector<1024x128xf32>
    %dot_general3A_19 = arith.constant dense<0.000000e+00> : vector<256x128xf32>
    %dot_general3A_20 = tpu.matmul %mul3A, %get3A_18, %dot_general3A_19 {dimension_numbers = #tpu.dot_dimension_numbers<[1], [0], [0], [1], [0, 0, 1, 1], [], []>, transpose_lhs_hint = false} : vector<256x1024xf32>, vector<1024x128xf32>, vector<256x128xf32> -> vector<256x128xf32>
    %get3A_21 = arith.constant 0 : index
    %get3A_22 = arith.constant 0 : index
    %get3A_23 = vector.load %arg5[%get3A_21, %get3A_22] : memref<1x128xf32, #tpu.memory_space<vmem>>, vector<1x128xf32>
    %add3A_24 = vector.broadcast %get3A_23 : vector<1x128xf32> to vector<256x128xf32>
    %add3A_25 = arith.addf %dot_general3A_20, %add3A_24 : vector<256x128xf32>
    %iota3A = tpu.iota {dimensions = array<i32: 1>} : vector<256x128xi32>
    %lt3A = arith.constant 8 : i32
    %lt3A_26 = vector.broadcast %lt3A : i32 to vector<256x128xi32>
    %lt3A_27 = arith.cmpi slt, %iota3A, %lt3A_26 : vector<256x128xi32>
    %jit3A = arith.constant 0xFF800000 : f32
    %broadcast_in_dim3A = vector.broadcast %jit3A : f32 to vector<256x128xf32>
    %select_n3A = arith.select %lt3A_27, %add3A_25, %broadcast_in_dim3A : vector<256x128xi1>, vector<256x128xf32>
    %reduce_max3A = arith.constant dense<0xFF800000> : vector<256xf32>
    %reduce_max3A_28 = vector.multi_reduction <maximumf>, %select_n3A, %reduce_max3A [1] : vector<256x128xf32> to vector<256xf32>
    %broadcast_in_dim3A_29 = vector.shape_cast %reduce_max3A_28 : vector<256xf32> to vector<256x1xf32>
    %eq3A = vector.broadcast %broadcast_in_dim3A_29 : vector<256x1xf32> to vector<256x128xf32>
    %eq3A_30 = arith.cmpf oeq, %select_n3A, %eq3A : vector<256x128xf32>
    %jit3A_31 = arith.constant 128 : i32
    %broadcast_in_dim3A_32 = vector.broadcast %jit3A_31 : i32 to vector<256x128xi32>
    %select_n3A_33 = arith.select %eq3A_30, %iota3A, %broadcast_in_dim3A_32 : vector<256x128xi1>, vector<256x128xi32>
    %reduce_min3A = arith.constant dense<2147483647> : vector<256xi32>
    %reduce_min3A_34 = vector.multi_reduction <minsi>, %select_n3A_33, %reduce_min3A [1] : vector<256x128xi32> to vector<256xi32>
    %broadcast_in_dim3A_35 = vector.shape_cast %reduce_min3A_34 : vector<256xi32> to vector<256x1xi32>
    %eq3A_36 = vector.broadcast %broadcast_in_dim3A_35 : vector<256x1xi32> to vector<256x128xi32>
    %eq3A_37 = arith.cmpi eq, %iota3A, %eq3A_36 : vector<256x128xi32>
    %jit3A_38 = arith.constant 0xFF800000 : f32
    %broadcast_in_dim3A_39 = vector.broadcast %jit3A_38 : f32 to vector<256x128xf32>
    %select_n3A_40 = arith.select %eq3A_37, %broadcast_in_dim3A_39, %select_n3A : vector<256x128xi1>, vector<256x128xf32>
    %reduce_max3A_41 = arith.constant dense<0xFF800000> : vector<256xf32>
    %reduce_max3A_42 = vector.multi_reduction <maximumf>, %select_n3A_40, %reduce_max3A_41 [1] : vector<256x128xf32> to vector<256xf32>
    %broadcast_in_dim3A_43 = vector.shape_cast %reduce_max3A_42 : vector<256xf32> to vector<256x1xf32>
    %eq3A_44 = vector.broadcast %broadcast_in_dim3A_43 : vector<256x1xf32> to vector<256x128xf32>
    %eq3A_45 = arith.cmpf oeq, %select_n3A_40, %eq3A_44 : vector<256x128xf32>
    %jit3A_46 = arith.constant 128 : i32
    %broadcast_in_dim3A_47 = vector.broadcast %jit3A_46 : i32 to vector<256x128xi32>
    %select_n3A_48 = arith.select %eq3A_45, %iota3A, %broadcast_in_dim3A_47 : vector<256x128xi1>, vector<256x128xi32>
    %reduce_min3A_49 = arith.constant dense<2147483647> : vector<256xi32>
    %reduce_min3A_50 = vector.multi_reduction <minsi>, %select_n3A_48, %reduce_min3A_49 [1] : vector<256x128xi32> to vector<256xi32>
    %broadcast_in_dim3A_51 = vector.shape_cast %reduce_min3A_50 : vector<256xi32> to vector<256x1xi32>
    %sub3A = arith.subf %broadcast_in_dim3A_43, %broadcast_in_dim3A_29 : vector<256x1xf32>
    %exp3A = math.exp %sub3A : vector<256x1xf32>
    %add3A_52 = arith.constant 1.000000e+00 : f32
    %add3A_53 = vector.broadcast %add3A_52 : f32 to vector<256x1xf32>
    %add3A_54 = arith.addf %add3A_53, %exp3A : vector<256x1xf32>
    %div3A = arith.constant 1.000000e+00 : f32
    %div3A_55 = vector.broadcast %div3A : f32 to vector<256x1xf32>
    %div3A_56 = arith.divf %div3A_55, %add3A_54 : vector<256x1xf32>
    %swap3A = arith.constant 0 : index
    %swap3A_57 = arith.constant 0 : index
    %swap3A_58 = vector.load %arg6[%swap3A, %swap3A_57] : memref<256x1xi32, #tpu.memory_space<vmem>>, vector<256x1xi32>
    tpu.vector_store %arg6[%swap3A, %swap3A_57], %broadcast_in_dim3A_35 {strides = array<i32>} : memref<256x1xi32, #tpu.memory_space<vmem>>, vector<256x1xi32>,
    %swap3A_59 = arith.constant 0 : index
    %swap3A_60 = arith.constant 0 : index
    %swap3A_61 = vector.load %arg7[%swap3A_59, %swap3A_60] : memref<256x1xi32, #tpu.memory_space<vmem>>, vector<256x1xi32>
    tpu.vector_store %arg7[%swap3A_59, %swap3A_60], %broadcast_in_dim3A_51 {strides = array<i32>} : memref<256x1xi32, #tpu.memory_space<vmem>>, vector<256x1xi32>,
    %swap3A_62 = arith.constant 0 : index
    %swap3A_63 = arith.constant 0 : index
    %swap3A_64 = vector.load %arg8[%swap3A_62, %swap3A_63] : memref<256x1xf32, #tpu.memory_space<vmem>>, vector<256x1xf32>
    tpu.vector_store %arg8[%swap3A_62, %swap3A_63], %div3A_56 {strides = array<i32>} : memref<256x1xf32, #tpu.memory_space<vmem>>, vector<256x1xf32>,
    %mul3A_65 = arith.mulf %exp3A, %div3A_56 : vector<256x1xf32>
    %swap3A_66 = arith.constant 0 : index
    %swap3A_67 = arith.constant 0 : index
    %swap3A_68 = vector.load %arg9[%swap3A_66, %swap3A_67] : memref<256x1xf32, #tpu.memory_space<vmem>>, vector<256x1xf32>
    tpu.vector_store %arg9[%swap3A_66, %swap3A_67], %mul3A_65 {strides = array<i32>} : memref<256x1xf32, #tpu.memory_space<vmem>>, vector<256x1xf32>,
    return
  }
  func.func @transform_0(%arg0: i32) -> (i32, i32) {
    %c0_i32 = arith.constant 0 : i32
    %c0_i32_0 = arith.constant 0 : i32
    return %arg0, %c0_i32 : i32, i32
  }
  func.func @transform_1(%arg0: i32) -> (i32, i32) {
    %c0_i32 = arith.constant 0 : i32
    %c0_i32_0 = arith.constant 0 : i32
    %c0_i32_1 = arith.constant 0 : i32
    return %c0_i32, %c0_i32_0 : i32, i32
  }
  func.func @transform_2(%arg0: i32) -> (i32, i32) {
    %c0_i32 = arith.constant 0 : i32
    %c0_i32_0 = arith.constant 0 : i32
    %c0_i32_1 = arith.constant 0 : i32
    return %c0_i32, %c0_i32_0 : i32, i32
  }
  func.func @transform_3(%arg0: i32) -> (i32, i32) {
    %c0_i32 = arith.constant 0 : i32
    %c0_i32_0 = arith.constant 0 : i32
    %c0_i32_1 = arith.constant 0 : i32
    return %c0_i32, %c0_i32_0 : i32, i32
  }
  func.func @transform_4(%arg0: i32) -> (i32, i32) {
    %c0_i32 = arith.constant 0 : i32
    %c0_i32_0 = arith.constant 0 : i32
    %c0_i32_1 = arith.constant 0 : i32
    return %c0_i32, %c0_i32_0 : i32, i32
  }
  func.func @transform_5(%arg0: i32) -> (i32, i32) {
    %c0_i32 = arith.constant 0 : i32
    %c0_i32_0 = arith.constant 0 : i32
    return %arg0, %c0_i32 : i32, i32
  }
  func.func @transform_6(%arg0: i32) -> (i32, i32) {
    %c0_i32 = arith.constant 0 : i32
    %c0_i32_0 = arith.constant 0 : i32
    return %arg0, %c0_i32 : i32, i32
  }
  func.func @transform_7(%arg0: i32) -> (i32, i32) {
    %c0_i32 = arith.constant 0 : i32
    %c0_i32_0 = arith.constant 0 : i32
    return %arg0, %c0_i32 : i32, i32
  }
  func.func @transform_8(%arg0: i32) -> (i32, i32) {
    %c0_i32 = arith.constant 0 : i32
    %c0_i32_0 = arith.constant 0 : i32
    return %arg0, %c0_i32 : i32, i32
  }
}

module attributes {stable_mosaic.version = 14 : i64} {
  func.func @_group_tile(%arg0: i32, %arg1: memref<128xi32, #tpu.memory_space<smem>>, %arg2: memref<256x1024xf32, #tpu.memory_space<vmem>>, %arg3: memref<1x1024x1024xf32, #tpu.memory_space<vmem>>, %arg4: memref<1x1x1024xf32, #tpu.memory_space<vmem>>, %arg5: memref<256x1xf32, #tpu.memory_space<vmem>>, %arg6: memref<256x1024xf32, #tpu.memory_space<vmem>>) attributes {dimension_semantics = [#tpu.dimension_semantics<arbitrary>], iteration_bounds = array<i64: 72>, scalar_prefetch = 1 : i64, scratch_operands = 0 : i64, tpu.core_type = #tpu.core_type<tc>, window_params = [{transform_indices = @transform_0, window_bounds = array<i64: 256, 1024>}, {transform_indices = @transform_1, window_bounds = array<i64: 1, 1024, 1024>}, {transform_indices = @transform_2, window_bounds = array<i64: 1, 1, 1024>}, {transform_indices = @transform_3, window_bounds = array<i64: 256, 1>}, {transform_indices = @transform_4, window_bounds = array<i64: 256, 1024>}]} {
    %get3A = arith.constant 0 : index
    %get3A_0 = arith.constant 0 : index
    %get3A_1 = vector.load %arg2[%get3A, %get3A_0] : memref<256x1024xf32, #tpu.memory_space<vmem>>, vector<256x1024xf32>
    %convert_element_type3A = arith.truncf %get3A_1 : vector<256x1024xf32> to vector<256x1024xbf16>
    %get3A_2 = arith.constant 0 : index
    %get3A_3 = arith.constant 0 : index
    %get3A_4 = arith.constant 0 : index
    %get3A_5 = vector.load %arg3[%get3A_2, %get3A_3, %get3A_4] : memref<1x1024x1024xf32, #tpu.memory_space<vmem>>, vector<1x1024x1024xf32>
    %get3A_6 = vector.shape_cast %get3A_5 : vector<1x1024x1024xf32> to vector<1024x1024xf32>
    %convert_element_type3A_7 = arith.truncf %get3A_6 : vector<1024x1024xf32> to vector<1024x1024xbf16>
    %dot_general3A = arith.constant dense<0.000000e+00> : vector<256x1024xf32>
    %dot_general3A_8 = tpu.matmul %convert_element_type3A, %convert_element_type3A_7, %dot_general3A {dimension_numbers = #tpu.dot_dimension_numbers<[1], [0], [0], [1], [0, 0, 1, 1], [], []>, transpose_lhs_hint = false} : vector<256x1024xbf16>, vector<1024x1024xbf16>, vector<256x1024xf32> -> vector<256x1024xf32>
    %get3A_9 = arith.constant 0 : index
    %get3A_10 = arith.constant 0 : index
    %get3A_11 = arith.constant 0 : index
    %get3A_12 = vector.load %arg4[%get3A_9, %get3A_10, %get3A_11] : memref<1x1x1024xf32, #tpu.memory_space<vmem>>, vector<1x1x1024xf32>
    %get3A_13 = vector.shape_cast %get3A_12 : vector<1x1x1024xf32> to vector<1x1024xf32>
    %add3A = vector.broadcast %get3A_13 : vector<1x1024xf32> to vector<256x1024xf32>
    %add3A_14 = arith.addf %dot_general3A_8, %add3A : vector<256x1024xf32>
    %get3A_15 = arith.constant 0 : index
    %get3A_16 = arith.constant 0 : index
    %get3A_17 = vector.load %arg5[%get3A_15, %get3A_16] : memref<256x1xf32, #tpu.memory_space<vmem>>, vector<256x1xf32>
    %mul3A = vector.broadcast %get3A_17 : vector<256x1xf32> to vector<256x1024xf32>
    %mul3A_18 = arith.mulf %add3A_14, %mul3A : vector<256x1024xf32>
    %swap3A = arith.constant 0 : index
    %swap3A_19 = arith.constant 0 : index
    %swap3A_20 = vector.load %arg6[%swap3A, %swap3A_19] : memref<256x1024xf32, #tpu.memory_space<vmem>>, vector<256x1024xf32>
    tpu.vector_store %arg6[%swap3A, %swap3A_19], %mul3A_18 {strides = array<i32>} : memref<256x1024xf32, #tpu.memory_space<vmem>>, vector<256x1024xf32>,
    return
  }
  func.func @transform_0(%arg0: i32, %arg1: memref<128xi32, #tpu.memory_space<smem>>) -> (i32, i32) {
    %c0_i32 = arith.constant 0 : i32
    %c0_i32_0 = arith.constant 0 : i32
    return %arg0, %c0_i32 : i32, i32
  }
  func.func @transform_1(%arg0: i32, %arg1: memref<128xi32, #tpu.memory_space<smem>>) -> (i32, i32, i32) {
    %get3A = arith.index_cast %arg0 : i32 to index
    %get3A_0 = memref.load %arg1[%get3A] : memref<128xi32, #tpu.memory_space<smem>>
    %c0_i32 = arith.constant 0 : i32
    %c0_i32_1 = arith.constant 0 : i32
    %c0_i32_2 = arith.constant 0 : i32
    return %get3A_0, %c0_i32, %c0_i32_1 : i32, i32, i32
  }
  func.func @transform_2(%arg0: i32, %arg1: memref<128xi32, #tpu.memory_space<smem>>) -> (i32, i32, i32) {
    %get3A = arith.index_cast %arg0 : i32 to index
    %get3A_0 = memref.load %arg1[%get3A] : memref<128xi32, #tpu.memory_space<smem>>
    %c0_i32 = arith.constant 0 : i32
    %c0_i32_1 = arith.constant 0 : i32
    %c0_i32_2 = arith.constant 0 : i32
    return %get3A_0, %c0_i32, %c0_i32_1 : i32, i32, i32
  }
  func.func @transform_3(%arg0: i32, %arg1: memref<128xi32, #tpu.memory_space<smem>>) -> (i32, i32) {
    %c0_i32 = arith.constant 0 : i32
    %c0_i32_0 = arith.constant 0 : i32
    return %arg0, %c0_i32 : i32, i32
  }
  func.func @transform_4(%arg0: i32, %arg1: memref<128xi32, #tpu.memory_space<smem>>) -> (i32, i32) {
    %c0_i32 = arith.constant 0 : i32
    %c0_i32_0 = arith.constant 0 : i32
    return %arg0, %c0_i32 : i32, i32
  }
}

</mosaic_0001>

<sc_bundles>
// kernel: gather_offload_async_start.1
scs
__scs_entry_jumppad:
0x0: {  	(pc) =	sbr.rel $0x88, $3  }
0x1: {  	(tag) =	ssettag $0x0;
	lr =	simm.s32 $0x1  }
0x2: {  	[smem:$0x3F9A] =	sst lr;
	_ =	strace $0xD0000000  }
0x3: {  	_ = 	snop  }
0x4: {  	_ = 	snop  }
0x5: {  	_ = 	snop  }
0x6: {  	_ = 	snop  }
0x7: {  	_ = 	snop  }
__scs_overlays_trampoline_lowered:
0x8: {  	[smem:$0x3FA9] =	sst s0  }
0x9: {  	[smem:$0x3FAA] =	sst s1  }
0xa: {  	[smem:$0x3FAB] =	sst s2  }
0xb: {  	[smem:$0x3FAC] =	sst s3  }
0xc: {  	[smem:$0x3FAD] =	sst s4  }
0xd: {  	[smem:$0x3FAE] =	sst s5  }
0xe: {  	[smem:$0x3FAF] =	sst s6  }
0xf: {  	[smem:$0x3FB0] =	sst s7  }
0x10: {  	[smem:$0x3FB1] =	sst s8  }
0x11: {  	[smem:$0x3FB2] =	sst s9;
	s0 =	simm.s32 @!p0 $0x0  }
0x12: {  	s1 =	sld [smem:$0x3F98];
	s0 =	simm.s32 @p0 $0x1  }
0x13: {  	[smem:$0x3FB3] =	sst s0;
	s0 =	simm.s32 @!p1 $0x0  }
0x14: {  	s2 =	sld [smem:$0x3F97];
	s0 =	simm.s32 @p1 $0x1  }
0x15: {  	[smem:$0x3FB4] =	sst s0;
	s0 =	simm.s32 @!p2 $0x0  }
0x16: {  	s3 =	sld [smem:$0x3FDB];
	s0 =	simm.s32 @p2 $0x1  }
0x17: {  	s4 =	simm.s32 $0x1BF5;
	[smem:$0x3FB6] =	sst s0  }
0x18: {  	s0 =	sld [smem:$0x3F99];
	_ =	swait.ge [sflag:s4], $0x0  }
0x19: {  	s7 =	sld [smem:$0x3F9A]  }
0x1a: {  	s8 =	sadd.s32 $0xFFFFE003, lr  }
0x1b: {  	s9 =	sadd.s32 $0xFFFFFEF7, lr;
	s5 =	simm.s32 $0xFFFFFFFF;
	p2 =	slt.u32 s8, $0xFFFFF086  }
0x1c: {  	p1 =	slt.u32 s9, $0xF7A;
	s5 =	simm.s32 @!p2 $0x0  }
0x1d: {  	s5 =	simm.s32 @p1 $0x1;
	p0 =	seq.s32 s7, s2  }
0x1e: {  	s7 =	smul.u32 @!p0 $0xF7A, s2;
	p2 =	seq.s32 @!p0 s5, $0x0  }
0x1f: {  	s9 =	smul.u32 $0xF7A, s1;
	s8 =	simm.s32 @!p0 $0x1BF5;
	p2 =	por !p2, p0  }
0x20: {  	[sflag:s8] =	ssyncset.s32 @!p0 $0xFFFFF086;
	s6 =	sadd.s32 @!p0 s3, s7;
	s7 =	simm.s32 @!p0 $0x108  }
0x21: {  	s3 =	sadd.s32 s3, s9;
	s6 =	sadd.s32 @!p0 $0x88, s6;
	s7 =	simm.s32 @p2 $0x1082  }
0x22: {  	[simem:s7], [sflag:s8] =	dma.local @!p0 [hbm:s6], $0xF7A  }
0x23: {  	s9 =	sor.u32 $0xD0000000, s2;
	s6 =	simm.s32 $0x108;
	_ =	swait.ge @!p0 [sflag:s8], $0x0  }
0x24: {  	s3 =	sadd.s32 $0x88, s3;
	s6 =	simm.s32 @!p1 $0x1082;
	[sflag:s4] =	ssyncset.s32 $0xFFFFF086  }
0x25: {  	[simem:s6], [sflag:s4] =	dma.local [hbm:s3], $0xF7A  }
0x26: {  	[smem:$0x3F9A] =	sst s1;
	(tag) =	ssettag s2;
	_ =	strace s9  }
0x27: {  	s1 =	sld [smem:$0x3FAA]  }
0x28: {  	s2 =	sld [smem:$0x3FAB]  }
0x29: {  	s4 =	sld [smem:$0x3FAD]  }
0x2a: {  	p0 =	seq.s32 s5, $0x0;
	s5 =	sld [smem:$0x3FAE]  }
0x2b: {  	s6 =	sld [smem:$0x3FAF]  }
0x2c: {  	s7 =	sld [smem:$0x3FB0]  }
0x2d: {  	s3 =	simm.s32 $0x108;
	s8 =	sld [smem:$0x3FB1]  }
0x2e: {  	s3 =	simm.s32 @!p0 $0x1082;
	s9 =	sld [smem:$0x3FB2]  }
0x2f: {  	lr =	sadd.s32 s0, s3;
	s0 =	sld [smem:$0x3FA9]  }
0x30: {  	s3 =	sld [smem:$0x3FAC]  }
0x31: {  	[smem:$0x3FB5] =	sst s10  }
0x32: {  	s10 =	sld [smem:$0x3FB3];
	_ =	sdelay $0x3  }
0x33: {  	p0 =	seq.s32 s10, $0x1;
	s10 =	sld [smem:$0x3FB5];
	_ =	sdelay $0x3  }
0x34: {  	[smem:$0x3FB5] =	sst s10  }
0x35: {  	s10 =	sld [smem:$0x3FB4];
	_ =	sdelay $0x3  }
0x36: {  	p1 =	seq.s32 s10, $0x1;
	s10 =	sld [smem:$0x3FB5];
	_ =	sdelay $0x3  }
0x37: {  	[smem:$0x3FB5] =	sst s10  }
0x38: {  	s10 =	sld [smem:$0x3FB6]  }
0x39: {  	_ = 	snop;
	(pc) =	sbr.ind lr, $3  }
0x3a: {  	_ = 	snop  }
0x3b: {  	_ = 	snop  }
0x3c: {  	p2 =	seq.s32 s10, $0x1;
	s10 =	sld [smem:$0x3FB5]  }
0x3d: {  	_ =	shalt  }
0x3e: {  	_ =	shalt  }
0x3f: {  	_ =	shalt  }
0x40: {  	_ =	shalt  }
0x41: {  	_ =	shalt  }
0x42: {  	_ =	shalt  }
0x43: {  	_ =	shalt  }
0x44: {  	_ =	shalt  }
0x45: {  	_ =	shalt  }
0x46: {  	_ =	shalt  }
0x47: {  	_ =	shalt  }
0x48: {  	_ =	shalt  }
0x49: {  	_ =	shalt  }
0x4a: {  	_ =	shalt  }
0x4b: {  	_ =	shalt  }
0x4c: {  	_ =	shalt  }
0x4d: {  	_ =	shalt  }
0x4e: {  	_ =	shalt  }
0x4f: {  	_ =	shalt  }
0x50: {  	_ =	shalt  }
0x51: {  	_ =	shalt  }
0x52: {  	_ =	shalt  }
0x53: {  	_ =	shalt  }
0x54: {  	_ =	shalt  }
0x55: {  	_ =	shalt  }
0x56: {  	_ =	shalt  }
0x57: {  	_ =	shalt  }
0x58: {  	_ =	shalt  }
0x59: {  	_ =	shalt  }
0x5a: {  	_ =	shalt  }
0x5b: {  	_ =	shalt  }
0x5c: {  	_ =	shalt  }
0x5d: {  	_ =	shalt  }
0x5e: {  	_ =	shalt  }
0x5f: {  	_ =	shalt  }
0x60: {  	_ =	shalt  }
0x61: {  	_ =	shalt  }
0x62: {  	_ =	shalt  }
0x63: {  	_ =	shalt  }
0x64: {  	_ =	shalt  }
0x65: {  	_ =	shalt  }
0x66: {  	_ =	shalt  }
0x67: {  	_ =	shalt  }
0x68: {  	_ =	shalt  }
0x69: {  	_ =	shalt  }
0x6a: {  	_ =	shalt  }
0x6b: {  	_ =	shalt  }
0x6c: {  	_ =	shalt  }
0x6d: {  	_ =	shalt  }
0x6e: {  	_ =	shalt  }
0x6f: {  	_ =	shalt  }
0x70: {  	_ =	shalt  }
0x71: {  	_ =	shalt  }
0x72: {  	_ =	shalt  }
0x73: {  	_ =	shalt  }
0x74: {  	_ =	shalt  }
0x75: {  	_ =	shalt  }
0x76: {  	_ =	shalt  }
0x77: {  	_ =	shalt  }
0x78: {  	_ =	shalt  }
0x79: {  	_ =	shalt  }
0x7a: {  	_ =	shalt  }
0x7b: {  	_ =	shalt  }
0x7c: {  	_ =	shalt  }
0x7d: {  	_ =	shalt  }
0x7e: {  	_ =	shalt  }
0x7f: {  	_ =	shalt  }
0x80: {  	_ =	shalt  }
0x81: {  	_ =	shalt  }
0x82: {  	_ =	shalt  }
0x83: {  	_ =	shalt  }
0x84: {  	_ =	shalt  }
0x85: {  	_ =	shalt  }
0x86: {  	_ =	shalt  }
0x87: {  	_ =	shalt  }
.Lfunc_end0:
.L_simem_size_0:
called_computation.2_lowered:
.L_overlay_start_0:
0x88: {  	s2 =	sld [smem:$0x3FD9]  }
0x89: {  	s3 =	sld [smem:$0x3FFE];
	_ =	sdelay $0x1  }
0x8a: {  	s1 =	srdreg.scid  }
0x8b: {  	s0 =	sand.u32 $0x1, s1  }
0x8c: {  	s17 =	sshll.u32 s0, $0xA;
	s2 =	sadd.s32 s3, s2  }
0x8d: {  	s2 =	sadd.s32 s2, s17  }
0x8e: {  	[smem:$0x3FC1] =	sst s2  }
0x8f: {  	_ = 	snop  }
0x90: {  	s18 =	sld [smem:$0x3FD0];
	(tm) =	ssettm $0x1  }
0x91: {  	s19 =	sld [smem:$0x3FFB];
	_ =	sdelay $0x3  }
0x92: {  	_ =	strace s19  }
0x93: {  	s2 =	sld [smem:$0x3FFC];
	_ =	sdelay $0x3  }
0x94: {  	_ =	strace s2  }
0x95: {  	s2 =	sld [smem:$0x3FFD];
	_ =	sdelay $0x3  }
0x96: {  	_ =	strace s2  }
0x97: {  	_ =	strace $0x8FFFFFFF  }
0x98: {  	s20 =	sld [smem:$0x3FDB];
	_ =	sdelay $0x1  }
0x99: {  	s4 =	simm.s32 $_scs_section_size  }
0x9a: {  	s5 =	simm.s32 $_size__tile_overlayer_lowered;
	s6 =	simm.s32 $_tile_overlayer_lowered  }
0x9b: {  	s7 =	simm.s32 $0x1BFF;
	s21 =	sshll.u32 s6, $0x1;
	s4 =	sadd.s32 s4, s20  }
0x9c: {  	s22 =	simm.s32 $0x0;
	s5 =	sshll.u32 s5, $0x1;
	s6 =	sadd.s32 s21, s4  }
0x9d: {  	[timem:s22], [sflag:s7] =	dma.local [hbm:s6], s5  }
0x9e: {  	_ =	swait.ge [sflag:s7], s5  }
0x9f: {  	s5 =	ssub.s32 $0x0, s5;
	[sflag:s7] =	ssyncset.done $0x0  }
0xa0: {  	[sflag:s7] =	ssyncadd.s32 s5;
	_ =	sdelay $0x1  }
0xa1: {  	s23 =	simm.s32 $0x1B8B  }
0xa2: {  	_ =	swait.ge [sflag:s23], $0x1  }
0xa3: {  	[sflag:s23] =	ssyncset.done $0x0  }
0xa4: {  	[sflag:s23] =	ssyncadd.s32 $0xFFFFFFFF  }
0xa5: {  	s5 =	sld [smem:$0x0]  }
0xa6: {  	s6 =	sand.u32 $0xFFFFFFFE, s1  }
0xa7: {  	p0 =	sne.s32 s1, s6  }
0xa8: {  	s6 =	sshll.u32 @p0 s6, $0xE  }
0xa9: {  	s6 =	sadd.s32 @p0 $0x11B8D, s6;
	s7 =	sshll.u32 @p0 s5, $0x11  }
0xaa: {  	s6 =	sor.u32 @p0 s7, s6  }
0xab: {  	[sflag:s6] =	ssyncadd.remote.s32 @p0 $0x1;
	_ =	sdelay $0x1  }
0xac: {  	s6 =	simm.s32 @p0 $0x1B8D  }
0xad: {  	_ =	swait.eq @p0 [sflag:s6], $0x1  }
0xae: {  	[sflag:s6] =	ssyncadd.s32 @p0 $0xFFFFFFFF  }
0xaf: {  	s7 =	sshll.u32 @!p0 s1, $0xE  }
0xb0: {  	s7 =	sor.u32 @!p0 $0x4000, s7;
	s6 =	simm.s32 @!p0 $0x1B8D  }
0xb1: {  	s5 =	sshll.u32 @!p0 s5, $0x11;
	s7 =	sadd.s32 @!p0 $0x11B8D, s7;
	_ =	swait.eq @!p0 [sflag:s6], $0x1  }
0xb2: {  	s5 =	sor.u32 @!p0 s5, s7;
	[sflag:s6] =	ssyncadd.s32 @!p0 $0xFFFFFFFF  }
0xb3: {  	s25 =	simm.s32 $0x1B8E;
	s24 =	sld [smem:$0x3FFE];
	[sflag:s5] =	ssyncadd.remote.s32 @!p0 $0x1  }
0xb4: {  	s26 =	simm.s32 $execute0_lowered;
	[smem:$0x3FD2] =	sst s25  }
0xb5: {  	s6 =	sshll.u32 s26, $0x1;
	_ =	strace $0x8000004F;
	[dreg:$0x1] =	wrdreg $0xFFFFFFFF  }
0xb6: {  	s28 =	simm.s32 $_size_execute0_lowered;
	s4 =	sadd.s32 s4, s6;
	[dreg:$0x0] =	wrdreg $0x0  }
0xb7: {  	s6 =	sshll.u32 s28, $0x1;
	[dreg:$0x2] =	wrdreg s4  }
0xb8: {  	[dreg:$0x3] =	wrdreg s6  }
0xb9: {  	[dreg:$0x4] =	wrdreg $0xC0  }
0xba: {  	_ =	task [dreg:s22], $0x5FFFF  }
0xbb: {  	[dreg:$0x1] =	wrdreg $0xFFFFFFFF  }
0xbc: {  	[dreg:$0x0] =	wrdreg $0x60  }
0xbd: {  	[dreg:$0x2] =	wrdreg s24  }
0xbe: {  	[dreg:$0x3] =	wrdreg s18  }
0xbf: {  	[dreg:$0x4] =	wrdreg $0x9  }
0xc0: {  	_ =	task.clear_ibuf [dreg:s22], $0x5FFFF;
	_ =	strace $0x9000004F  }
0xc1: {  	s29 =	simm.s32 $0x9;
	_ =	strace $0x80000051  }
0xc2: {  	_ =	swait.ge [sflag:s29], $0x1  }
0xc3: {  	[sflag:s29] =	ssyncadd.s32 $0xFFFFFFFF  }
0xc4: {  	_ =	strace $0x90000051  }
0xc5: {  	_ =	sfence  }
0xc6: {  	s30 =	sld [smem:$0x0];
	_ =	sdelay $0x2  }
0xc7: {  	s31 =	sshll.u32 s1, $0xD;
	s1 =	sshrl.u32 s1, $0x2  }
0xc8: {  	s4 =	sand.u32 $0x4000, s31;
	s1 =	sadd.s32 s1, s30  }
0xc9: {  	s0 =	sor.u32 s4, s0;
	s1 =	sshll.u32 s1, $0x11  }
0xca: {  	s0 =	sor.u32 s1, s0  }
0xcb: {  	s0 =	sadd.s32 $0x8F2B, s0  }
0xcc: {  	[sflag:s0] =	ssyncadd.remote.s32 $0x1  }
0xcd: {  	_ =	sfence.sel $0xFFFF  }
0xce: {  	[dreg:$0x0] =	wrdreg $0xFFFFFFFF;
	(pc) =	sbr.abs _section_cstart, $3  }
0xcf: {  	[dreg:$0x1] =	wrdreg $0xFFFFFFFF  }
0xd0: {  	_ =	task.clear_ibuf [dreg:s22], $0x2FFFF;
	_ =	strace $0x9FFFFFFF  }
0xd1: {  	(tm) =	ssettm $0x7FFFFFFF  }
tec
execute0_lowered:
.L_overlay_start_1:
0x0: {  	(tag) =	ssettag $0x1  }
0x1: {  	s7 =	rddreg [dreg:$0x0]  }
0x2: {  	s2 =	rddreg [dreg:$0x1]  }
0x3: {  	s0 =	rddreg [dreg:$0x2]  }
0x4: {  	s1 =	srdreg.scid;
	_ =	strace $0x80000050;
	s4 =	simm.s32 $0x1  }
0x5: {  	s9 =	simm.s32 $0x3;
	s11 =	simm.s32 $0x0;
	s5 =	sshll.u32 s1, $0x4  }
.Ltmp0:
0x6: {  	s1 =	stileid.u32;
	s5 =	sand.u32 $0x10, s5;
	(pc) =	sbr.rel .LBB2_1-.Ltmp0, $4  }
0x7: {  	p0 =	por $0x0, $0x0;
	s3 =	sadd.s32 $0x261C00, s7;
	s6 =	sor.u32 s1, s5  }
0x8: {  	[sflag:s4] =	ssyncpa.u1 $0x0;
	s5 =	simm.s32 $0x2;
	s6 =	sshll.u32 s6, $0x8  }
0x9: {  	s7 =	sadd.s32 $0x400, s7;
	[sflag:s5] =	ssyncpa.u1 $0x0;
	s8 =	sadd.s32 $0x100, s6  }
0xa: {  	vm0 =	vmmov $0xff;
	vm1 =	vcmask $0x3F20;
	[sflag:s9] =	ssyncpa.u1 $0x0;
	s10 =	smov.u32 s6;
	s9 =	simm.s32 $0x0  }
.LBB2_9:
0xb: {  	p1 =	slt.u32 s9, $0x2;
	s11 =	sadd.s32 $0x20, s10  }
0xc: {  	s13 =	smov.u32 s6;
	s9 =	sadd.s32 $0x1, s9;
	p2 =	slt.s32 s11, s8  }
0xd: {  	s13 =	smov.u32 @p2 s11;
	p2 =	sne.s32 s9, $0xA  }
.Ltmp1:
0xe: {  	_ = 	snop;
	(pc) =	sbr.rel @!p2 .LBB2_10-.Ltmp1, $4  }
0xf: {  	s12 =	simm.s32 @!p1 $0x3  }
0x10: {  	_ =	swait.ge @!p1 [sflag:s12], $0x8000  }
0x11: {  	p0 =	por !p0, !p0;
	[sflag:s12] =	ssyncset.done @!p1 $0x0  }
0x12: {  	s11 =	smov.u32 s10;
	s10 =	smov.u32 s13;
	[sflag:s12] =	ssyncadd.s32 @!p1 $0xFFFF8000  }
.LBB2_1:
0x13: {  	p1 =	sgt.u32 s9, $0x7  }
0x14: {  	s12 =	sxor.u32 @!p1 $0xFFFFFFFF, s9  }
0x15: {  	s13 =	sshrl.u32 @!p1 s10, $0x3;
	s12 =	sshll.u32 @!p1 s12, $0x5  }
0x16: {  	s14 =	sand.u32 @!p1 $0x7, s10;
	s13 =	sadd.s32 @!p1 s7, s13;
	s12 =	sand.u32 @!p1 $0x20, s12  }
0x17: {  	[tilespmem:s12], [sflag:$0x2] =	stream.linear.gather @!p1 [hbm4b:s13+s14], $0x20, $0x38;
	[tilespmem:$0x10040] =	vst v63  }
0x18: {  	p1 =	seq.s32 s9, $0x0  }
0x19: {  	p2 =	seq.s32 @!p1 s9, $0x9  }
0x1a: {  	p1 =	por p1, p2  }
.Ltmp2:
0x1b: {  	_ = 	snop;
	(pc) =	sbr.rel @p1 .LBB2_9-.Ltmp2, $1  }
0x1c: {  	_ =	sdelay $0x3  }
0x1d: {  	s12 =	simm.s32 $0x1  }
0x1e: {  	_ =	swait.ge [sflag:s5], $0x20;
	s13 =	sand.u32 $0x1, s9;
	s12 =	simm.s32 @!p0 $0x0  }
0x1f: {  	s15 =	simm.s32 $0x0;
	p2 =	por $0x1, $0x1;
	s12 =	sshll.u32 s12, $0x11  }
0x20: {  	[sflag:s5] =	ssyncset.done $0x0;
	s13 =	sshll.u32 s13, $0x5;
	s14 =	sshrl.u32 s12, $0x2  }
0x21: {  	[sflag:s5] =	ssyncadd.s32 $0xFFFFFFE0;
	s12 =	sor.u32 $0x40, s14;
	s14 =	sadd.s32 $0x40, s14  }
.LBB2_3:
0x22: {  	s16 =	sshll.u32 s15, $0x4  }
0x23: {  	s16 =	sand.u32 $0x3FFFFFF0, s16  }
0x24: {  	s16 =	sadd.s32 s16, s13  }
0x25: {  	v0 =	vld.msk [tilespmem:s16+$0x0 ss:$0x1], $0xffff;
	_ =	sdelay $0x4  }
0x26: {  	vm2 =	vgt.s32 v0, $0x0  }
0x27: {  	v0 =	vnsel vm2, $0x0, v0  }
0x28: {  	v0 =	vmin.u32 v0, $0x47FF  }
0x29: {  	v1 =	vshll.u32 v0, $0x7;
	v0 =	vshll.u32 v0, $0x4  }
0x2a: {  	v1 =	vand.u32 $0x3FFC00, v1;
	v0 =	vand.u32 $0x70, v0  }
0x2b: {  	v0 =	vor.u32 v0, v1  }
0x2c: {  	s31 =	sshll.u32 s15, $0x10  }
0x2d: {  	s15 =	sshra.s32 s31, $0x2  }
0x2e: {  	s15 =	sadd.s32 s15, s14  }
0x2f: {  	s17 =	sadd.s32 $0x0, s15  }
0x30: {  	[tilespmem:s17], [sflag:$0x1] =	stream.indirect_vreg.gather [hbm:s3], $0x80, v0, vm0, $0x38;
	[tilespmem:$0x10040] =	vst v63  }
0x31: {  	p1 =	por p2, p2;
	s16 =	simm.s32 $0x1000;
	v1 =	vadd.s32 $0x80, v0;
	s17 =	sadd.s32 $0x2000, s17  }
.LBB2_4:
0x32: {  	[tilespmem:s17], [sflag:$0x1] =	stream.indirect_vreg.gather [hbm:s3], $0x80, v0, vm1, $0x38;
	[tilespmem:$0x10040] =	vst v63  }
0x33: {  	v0 =	vmov v1;
	s17 =	smov.u32 s16;
	p2 =	sne.s32 s16, $0x7000  }
.Ltmp3:
0x34: {  	s16 =	sadd.s32 $0x1000, s16;
	(pc) =	sbr.rel @p2 .LBB2_4-.Ltmp3, $4  }
0x35: {  	s17 =	sshra.s32 s17, $0x2  }
0x36: {  	s17 =	sadd.s32 s17, s15  }
0x37: {  	[tilespmem:s17], [sflag:$0x1] =	stream.indirect_vreg.gather [hbm:s3], $0x80, v1, vm0, $0x38;
	[tilespmem:$0x10040] =	vst v63  }
0x38: {  	s17 =	sadd.s32 $0x2000, s17;
	v1 =	vadd.s32 $0x80, v1  }
0x39: {  	_ = 	snop  }
.Ltmp4:
0x3a: {  	_ = 	snop;
	(pc) =	sbr.rel @p1 .LBB2_3-.Ltmp4, $3  }
0x3b: {  	_ =	sdelay $0x1  }
0x3c: {  	[tilespmem:s17], [sflag:$0x1] =	stream.indirect_vreg.gather [hbm:s3], $0x80, v0, vm1, $0x38;
	[tilespmem:$0x10040] =	vst v63  }
0x3d: {  	s15 =	simm.s32 $0x1;
	p2 =	por $0x0, $0x0  }
0x3e: {  	s13 =	sshll.u32 s11, $0x7  }
0x3f: {  	s31 =	sshll.u32 s11, $0x4;
	s13 =	sand.u32 $0xFFFFFC00, s13  }
0x40: {  	_ =	swait.ge [sflag:s4], $0x8000;
	s11 =	sand.u32 $0x70, s31;
	s13 =	sadd.s32 s13, s2  }
0x41: {  	s14 =	sadd.s32 $0x2000, s12;
	[sflag:s4] =	ssyncset.done $0x0;
	s11 =	sadd.s32 s11, s13  }
0x42: {  	[sflag:s4] =	ssyncadd.s32 $0xFFFF8000;
	s13 =	simm.s32 $0x400;
	s15 =	sadd.s32 $0x0, s11  }
.LBB2_7:
0x43: {  	[hbm:s15] =	stream.linear.scatter [tilespmem:s12], [sflag:$0x3], $0x2000, $0x38;
	[tilespmem:$0x10040] =	vst v63  }
0x44: {  	s15 =	smov.u32 s13;
	s12 =	smov.u32 s14;
	p1 =	sne.s32 s13, $0xC00  }
.Ltmp5:
0x45: {  	s13 =	sadd.s32 $0x400, s13;
	(pc) =	sbr.rel @p1 .LBB2_7-.Ltmp5, $2  }
0x46: {  	_ =	sdelay $0x2  }
0x47: {  	s14 =	sadd.s32 $0x2000, s14;
	s15 =	sadd.s32 s15, s11  }
.Ltmp6:
0x48: {  	(pc) =	sbr.rel .LBB2_9-.Ltmp6, $2  }
0x49: {  	_ =	sdelay $0x2  }
0x4a: {  	[hbm:s15] =	stream.linear.scatter [tilespmem:s12], [sflag:$0x3], $0x2000, $0x38;
	[tilespmem:$0x10040] =	vst v63  }
.LBB2_10:
0x4b: {  	_ =	sfence.sel $0x180000  }
0x4c: {  	s2 =	simm.s32 $0x2;
	[bflag:$0x0] =	sbarrier.arrive $0xFFFF  }
0x4d: {  	s30 =	simm.s32 $0x3;
	[sflag:s2] =	ssyncpa.u1 $0x1  }
0x4e: {  	s31 =	simm.s32 $0x1;
	[sflag:s30] =	ssyncpa.u1 $0x1  }
0x4f: {  	[sflag:s31] =	ssyncpa.u1 $0x1  }
0x50: {  	p0 =	sne.s32 s1, $0x0;
	_ =	strace $0x90000050  }
0x51: {  	s0 =	sadd.s32 @!p0 $0x100000, s0;
	[bflag:$0x2] =	sbarrier.arrive $0xFFFF  }
0x52: {  	[sflag:s0] =	ssyncadd.tile.s32 @!p0 $0x1;
	_ =	shalt  }
.Lfunc_end2:
_tile_overlayer_lowered:
.L_overlay_start_2:
0x53: {  	(tag) =	ssettag $0x2  }
0x54: {  	s0 =	rddreg [dreg:$0x0];
	s2 =	stileid.u32  }
0x55: {  	s1 =	rddreg [dreg:$0x1];
	p0 =	sne.s32 s2, $0x0  }
0x56: {  	s3 =	rddreg [dreg:$0x2];
	[bflag:$0x3] =	sbarrier.arrive $0xFFFF;
	s2 =	simm.s32 @!p0 $0x1C01  }
0x57: {  	[timem:s3], [sflag:s2] =	dma.local @!p0 [hbm:s0], s1  }
0x58: {  	s0 =	simm.s32 @!p0 $0x1  }
0x59: {  	_ =	swait.ge @!p0 [sflag:s0], s1  }
0x5a: {  	s1 =	ssub.s32 @!p0 $0x0, s1;
	[sflag:s0] =	ssyncset.done @!p0 $0x0  }
0x5b: {  	[sflag:s0] =	ssyncadd.s32 @!p0 s1  }
0x5c: {  	[bflag:$0x3] =	sbarrier.arrive $0xFFFF  }
0x5d: {  	_ =	shalt  }

// kernel: gather_offload_async_start.2
scs
__scs_entry_jumppad:
0x0: {  	(pc) =	sbr.rel $0x88, $3  }
0x1: {  	(tag) =	ssettag $0x0;
	lr =	simm.s32 $0x1  }
0x2: {  	[smem:$0x3F9A] =	sst lr;
	_ =	strace $0xD0000000  }
0x3: {  	_ = 	snop  }
0x4: {  	_ = 	snop  }
0x5: {  	_ = 	snop  }
0x6: {  	_ = 	snop  }
0x7: {  	_ = 	snop  }
__scs_overlays_trampoline_lowered:
0x8: {  	[smem:$0x3FA9] =	sst s0  }
0x9: {  	[smem:$0x3FAA] =	sst s1  }
0xa: {  	[smem:$0x3FAB] =	sst s2  }
0xb: {  	[smem:$0x3FAC] =	sst s3  }
0xc: {  	[smem:$0x3FAD] =	sst s4  }
0xd: {  	[smem:$0x3FAE] =	sst s5  }
0xe: {  	[smem:$0x3FAF] =	sst s6  }
0xf: {  	[smem:$0x3FB0] =	sst s7  }
0x10: {  	[smem:$0x3FB1] =	sst s8  }
0x11: {  	[smem:$0x3FB2] =	sst s9;
	s0 =	simm.s32 @!p0 $0x0  }
0x12: {  	s1 =	sld [smem:$0x3F98];
	s0 =	simm.s32 @p0 $0x1  }
0x13: {  	[smem:$0x3FB3] =	sst s0;
	s0 =	simm.s32 @!p1 $0x0  }
0x14: {  	s2 =	sld [smem:$0x3F97];
	s0 =	simm.s32 @p1 $0x1  }
0x15: {  	[smem:$0x3FB4] =	sst s0;
	s0 =	simm.s32 @!p2 $0x0  }
0x16: {  	s3 =	sld [smem:$0x3FDB];
	s0 =	simm.s32 @p2 $0x1  }
0x17: {  	s4 =	simm.s32 $0x1BF5;
	[smem:$0x3FB6] =	sst s0  }
0x18: {  	s0 =	sld [smem:$0x3F99];
	_ =	swait.ge [sflag:s4], $0x0  }
0x19: {  	s7 =	sld [smem:$0x3F9A]  }
0x1a: {  	s8 =	sadd.s32 $0xFFFFE003, lr  }
0x1b: {  	s9 =	sadd.s32 $0xFFFFFEF7, lr;
	s5 =	simm.s32 $0xFFFFFFFF;
	p2 =	slt.u32 s8, $0xFFFFF086  }
0x1c: {  	p1 =	slt.u32 s9, $0xF7A;
	s5 =	simm.s32 @!p2 $0x0  }
0x1d: {  	s5 =	simm.s32 @p1 $0x1;
	p0 =	seq.s32 s7, s2  }
0x1e: {  	s7 =	smul.u32 @!p0 $0xF7A, s2;
	p2 =	seq.s32 @!p0 s5, $0x0  }
0x1f: {  	s9 =	smul.u32 $0xF7A, s1;
	s8 =	simm.s32 @!p0 $0x1BF5;
	p2 =	por !p2, p0  }
0x20: {  	[sflag:s8] =	ssyncset.s32 @!p0 $0xFFFFF086;
	s6 =	sadd.s32 @!p0 s3, s7;
	s7 =	simm.s32 @!p0 $0x108  }
0x21: {  	s3 =	sadd.s32 s3, s9;
	s6 =	sadd.s32 @!p0 $0x88, s6;
	s7 =	simm.s32 @p2 $0x1082  }
0x22: {  	[simem:s7], [sflag:s8] =	dma.local @!p0 [hbm:s6], $0xF7A  }
0x23: {  	s9 =	sor.u32 $0xD0000000, s2;
	s6 =	simm.s32 $0x108;
	_ =	swait.ge @!p0 [sflag:s8], $0x0  }
0x24: {  	s3 =	sadd.s32 $0x88, s3;
	s6 =	simm.s32 @!p1 $0x1082;
	[sflag:s4] =	ssyncset.s32 $0xFFFFF086  }
0x25: {  	[simem:s6], [sflag:s4] =	dma.local [hbm:s3], $0xF7A  }
0x26: {  	[smem:$0x3F9A] =	sst s1;
	(tag) =	ssettag s2;
	_ =	strace s9  }
0x27: {  	s1 =	sld [smem:$0x3FAA]  }
0x28: {  	s2 =	sld [smem:$0x3FAB]  }
0x29: {  	s4 =	sld [smem:$0x3FAD]  }
0x2a: {  	p0 =	seq.s32 s5, $0x0;
	s5 =	sld [smem:$0x3FAE]  }
0x2b: {  	s6 =	sld [smem:$0x3FAF]  }
0x2c: {  	s7 =	sld [smem:$0x3FB0]  }
0x2d: {  	s3 =	simm.s32 $0x108;
	s8 =	sld [smem:$0x3FB1]  }
0x2e: {  	s3 =	simm.s32 @!p0 $0x1082;
	s9 =	sld [smem:$0x3FB2]  }
0x2f: {  	lr =	sadd.s32 s0, s3;
	s0 =	sld [smem:$0x3FA9]  }
0x30: {  	s3 =	sld [smem:$0x3FAC]  }
0x31: {  	[smem:$0x3FB5] =	sst s10  }
0x32: {  	s10 =	sld [smem:$0x3FB3];
	_ =	sdelay $0x3  }
0x33: {  	p0 =	seq.s32 s10, $0x1;
	s10 =	sld [smem:$0x3FB5];
	_ =	sdelay $0x3  }
0x34: {  	[smem:$0x3FB5] =	sst s10  }
0x35: {  	s10 =	sld [smem:$0x3FB4];
	_ =	sdelay $0x3  }
0x36: {  	p1 =	seq.s32 s10, $0x1;
	s10 =	sld [smem:$0x3FB5];
	_ =	sdelay $0x3  }
0x37: {  	[smem:$0x3FB5] =	sst s10  }
0x38: {  	s10 =	sld [smem:$0x3FB6]  }
0x39: {  	_ = 	snop;
	(pc) =	sbr.ind lr, $3  }
0x3a: {  	_ = 	snop  }
0x3b: {  	_ = 	snop  }
0x3c: {  	p2 =	seq.s32 s10, $0x1;
	s10 =	sld [smem:$0x3FB5]  }
0x3d: {  	_ =	shalt  }
0x3e: {  	_ =	shalt  }
0x3f: {  	_ =	shalt  }
0x40: {  	_ =	shalt  }
0x41: {  	_ =	shalt  }
0x42: {  	_ =	shalt  }
0x43: {  	_ =	shalt  }
0x44: {  	_ =	shalt  }
0x45: {  	_ =	shalt  }
0x46: {  	_ =	shalt  }
0x47: {  	_ =	shalt  }
0x48: {  	_ =	shalt  }
0x49: {  	_ =	shalt  }
0x4a: {  	_ =	shalt  }
0x4b: {  	_ =	shalt  }
0x4c: {  	_ =	shalt  }
0x4d: {  	_ =	shalt  }
0x4e: {  	_ =	shalt  }
0x4f: {  	_ =	shalt  }
0x50: {  	_ =	shalt  }
0x51: {  	_ =	shalt  }
0x52: {  	_ =	shalt  }
0x53: {  	_ =	shalt  }
0x54: {  	_ =	shalt  }
0x55: {  	_ =	shalt  }
0x56: {  	_ =	shalt  }
0x57: {  	_ =	shalt  }
0x58: {  	_ =	shalt  }
0x59: {  	_ =	shalt  }
0x5a: {  	_ =	shalt  }
0x5b: {  	_ =	shalt  }
0x5c: {  	_ =	shalt  }
0x5d: {  	_ =	shalt  }
0x5e: {  	_ =	shalt  }
0x5f: {  	_ =	shalt  }
0x60: {  	_ =	shalt  }
0x61: {  	_ =	shalt  }
0x62: {  	_ =	shalt  }
0x63: {  	_ =	shalt  }
0x64: {  	_ =	shalt  }
0x65: {  	_ =	shalt  }
0x66: {  	_ =	shalt  }
0x67: {  	_ =	shalt  }
0x68: {  	_ =	shalt  }
0x69: {  	_ =	shalt  }
0x6a: {  	_ =	shalt  }
0x6b: {  	_ =	shalt  }
0x6c: {  	_ =	shalt  }
0x6d: {  	_ =	shalt  }
0x6e: {  	_ =	shalt  }
0x6f: {  	_ =	shalt  }
0x70: {  	_ =	shalt  }
0x71: {  	_ =	shalt  }
0x72: {  	_ =	shalt  }
0x73: {  	_ =	shalt  }
0x74: {  	_ =	shalt  }
0x75: {  	_ =	shalt  }
0x76: {  	_ =	shalt  }
0x77: {  	_ =	shalt  }
0x78: {  	_ =	shalt  }
0x79: {  	_ =	shalt  }
0x7a: {  	_ =	shalt  }
0x7b: {  	_ =	shalt  }
0x7c: {  	_ =	shalt  }
0x7d: {  	_ =	shalt  }
0x7e: {  	_ =	shalt  }
0x7f: {  	_ =	shalt  }
0x80: {  	_ =	shalt  }
0x81: {  	_ =	shalt  }
0x82: {  	_ =	shalt  }
0x83: {  	_ =	shalt  }
0x84: {  	_ =	shalt  }
0x85: {  	_ =	shalt  }
0x86: {  	_ =	shalt  }
0x87: {  	_ =	shalt  }
.Lfunc_end0:
.L_simem_size_0:
called_computation.3_lowered:
.L_overlay_start_0:
0x88: {  	s2 =	sld [smem:$0x3FD9]  }
0x89: {  	s3 =	sld [smem:$0x3FFE];
	_ =	sdelay $0x1  }
0x8a: {  	s1 =	srdreg.scid  }
0x8b: {  	s0 =	sand.u32 $0x1, s1  }
0x8c: {  	s16 =	sshll.u32 s0, $0xA;
	s2 =	sadd.s32 s3, s2  }
0x8d: {  	s2 =	sadd.s32 s2, s16  }
0x8e: {  	[smem:$0x3FC1] =	sst s2  }
0x8f: {  	_ = 	snop  }
0x90: {  	(tm) =	ssettm $0x1  }
0x91: {  	s17 =	sld [smem:$0x3FFB];
	_ =	sdelay $0x3  }
0x92: {  	_ =	strace s17  }
0x93: {  	s2 =	sld [smem:$0x3FFC];
	_ =	sdelay $0x3  }
0x94: {  	_ =	strace s2  }
0x95: {  	s2 =	sld [smem:$0x3FFD];
	_ =	sdelay $0x3  }
0x96: {  	_ =	strace s2  }
0x97: {  	_ =	strace $0x8FFFFFFF  }
0x98: {  	s18 =	sld [smem:$0x3FDB];
	_ =	sdelay $0x1  }
0x99: {  	s19 =	simm.s32 $_scs_section_size  }
0x9a: {  	s4 =	simm.s32 $_size__tile_overlayer_lowered;
	s5 =	simm.s32 $_tile_overlayer_lowered  }
0x9b: {  	s22 =	simm.s32 $0x1BFF;
	s21 =	sshll.u32 s5, $0x1;
	s2 =	sadd.s32 s19, s18  }
0x9c: {  	s6 =	simm.s32 $0x0;
	s20 =	sshll.u32 s4, $0x1;
	s4 =	sadd.s32 s21, s2  }
0x9d: {  	[timem:s6], [sflag:s22] =	dma.local [hbm:s4], s20  }
0x9e: {  	_ =	swait.ge [sflag:s22], s20  }
0x9f: {  	s3 =	ssub.s32 $0x0, s20;
	[sflag:s22] =	ssyncset.done $0x0  }
0xa0: {  	[sflag:s22] =	ssyncadd.s32 s3;
	_ =	sdelay $0x1  }
0xa1: {  	s23 =	simm.s32 $0x1B8B  }
0xa2: {  	_ =	swait.ge [sflag:s23], $0x1  }
0xa3: {  	[sflag:s23] =	ssyncset.done $0x0  }
0xa4: {  	s25 =	simm.s32 $0x1B8E;
	s24 =	sld [smem:$0x3FFE];
	[sflag:s23] =	ssyncadd.s32 $0xFFFFFFFF  }
0xa5: {  	s26 =	simm.s32 $execute0_lowered;
	[smem:$0x3FD2] =	sst s25  }
0xa6: {  	s4 =	sshll.u32 s26, $0x1;
	_ =	strace $0x8000004C;
	[dreg:$0x1] =	wrdreg $0xFFFFFFFF  }
0xa7: {  	s28 =	simm.s32 $_size_execute0_lowered;
	s2 =	sadd.s32 s2, s4;
	[dreg:$0x0] =	wrdreg $0x0  }
0xa8: {  	s4 =	sshll.u32 s28, $0x1;
	[dreg:$0x2] =	wrdreg s2  }
0xa9: {  	[dreg:$0x3] =	wrdreg s4  }
0xaa: {  	[dreg:$0x4] =	wrdreg $0xC0  }
0xab: {  	_ =	task [dreg:s6], $0x5FFFF  }
0xac: {  	[dreg:$0x1] =	wrdreg $0xFFFFFFFF  }
0xad: {  	[dreg:$0x0] =	wrdreg $0x60  }
0xae: {  	[dreg:$0x2] =	wrdreg s24  }
0xaf: {  	[dreg:$0x3] =	wrdreg $0xA  }
0xb0: {  	_ =	task.clear_ibuf [dreg:s6], $0x4FFFF;
	_ =	strace $0x9000004C  }
0xb1: {  	s29 =	simm.s32 $0xA;
	_ =	strace $0x8000004E  }
0xb2: {  	_ =	swait.ge [sflag:s29], $0x1  }
0xb3: {  	[sflag:s29] =	ssyncadd.s32 $0xFFFFFFFF  }
0xb4: {  	_ =	strace $0x9000004E  }
0xb5: {  	_ =	sfence  }
0xb6: {  	s30 =	sld [smem:$0x0];
	_ =	sdelay $0x2  }
0xb7: {  	s31 =	sshll.u32 s1, $0xD;
	s1 =	sshrl.u32 s1, $0x2  }
0xb8: {  	s3 =	sand.u32 $0x4000, s31;
	s1 =	sadd.s32 s1, s30  }
0xb9: {  	s0 =	sor.u32 s3, s0;
	s1 =	sshll.u32 s1, $0x11  }
0xba: {  	s0 =	sor.u32 s1, s0  }
0xbb: {  	s0 =	sadd.s32 $0x8F2B, s0  }
0xbc: {  	[sflag:s0] =	ssyncadd.remote.s32 $0x1  }
0xbd: {  	_ =	sfence.sel $0xFFFF  }
0xbe: {  	[dreg:$0x0] =	wrdreg $0xFFFFFFFF;
	(pc) =	sbr.abs _section_cstart, $3  }
0xbf: {  	[dreg:$0x1] =	wrdreg $0xFFFFFFFF  }
0xc0: {  	_ =	task.clear_ibuf [dreg:s6], $0x2FFFF;
	_ =	strace $0x9FFFFFFF  }
0xc1: {  	(tm) =	ssettm $0x7FFFFFFF  }
tec
execute0_lowered:
.L_overlay_start_1:
0x0: {  	(tag) =	ssettag $0x1  }
0x1: {  	s2 =	rddreg [dreg:$0x0]  }
0x2: {  	s0 =	rddreg [dreg:$0x1]  }
0x3: {  	s1 =	srdreg.scid;
	_ =	strace $0x8000004D;
	s4 =	simm.s32 $0x1  }
0x4: {  	s9 =	simm.s32 $0x3;
	s11 =	simm.s32 $0x0;
	s5 =	sshll.u32 s1, $0x4  }
.Ltmp0:
0x5: {  	s1 =	stileid.u32;
	s5 =	sand.u32 $0x10, s5;
	(pc) =	sbr.rel .LBB2_1-.Ltmp0, $4  }
0x6: {  	p0 =	por $0x0, $0x0;
	s3 =	sadd.s32 $0x261C00, s2;
	s6 =	sor.u32 s1, s5  }
0x7: {  	[sflag:s4] =	ssyncpa.u1 $0x0;
	s5 =	simm.s32 $0x2;
	s6 =	sshll.u32 s6, $0x8  }
0x8: {  	s7 =	sadd.s32 $0x800, s2;
	[sflag:s5] =	ssyncpa.u1 $0x0;
	s8 =	sadd.s32 $0x100, s6  }
0x9: {  	vm0 =	vmmov $0xff;
	vm1 =	vcmask $0x3F20;
	[sflag:s9] =	ssyncpa.u1 $0x0;
	s10 =	smov.u32 s6;
	s9 =	simm.s32 $0x0  }
.LBB2_9:
0xa: {  	p1 =	slt.u32 s9, $0x2;
	s11 =	sadd.s32 $0x20, s10  }
0xb: {  	s13 =	smov.u32 s6;
	s9 =	sadd.s32 $0x1, s9;
	p2 =	slt.s32 s11, s8  }
0xc: {  	s13 =	smov.u32 @p2 s11;
	p2 =	sne.s32 s9, $0xA  }
.Ltmp1:
0xd: {  	_ = 	snop;
	(pc) =	sbr.rel @!p2 .LBB2_10-.Ltmp1, $4  }
0xe: {  	s12 =	simm.s32 @!p1 $0x3  }
0xf: {  	_ =	swait.ge @!p1 [sflag:s12], $0x8000  }
0x10: {  	p0 =	por !p0, !p0;
	[sflag:s12] =	ssyncset.done @!p1 $0x0  }
0x11: {  	s11 =	smov.u32 s10;
	s10 =	smov.u32 s13;
	[sflag:s12] =	ssyncadd.s32 @!p1 $0xFFFF8000  }
.LBB2_1:
0x12: {  	p1 =	sgt.u32 s9, $0x7  }
0x13: {  	s12 =	sxor.u32 @!p1 $0xFFFFFFFF, s9  }
0x14: {  	s13 =	sshrl.u32 @!p1 s10, $0x3;
	s12 =	sshll.u32 @!p1 s12, $0x5  }
0x15: {  	s14 =	sand.u32 @!p1 $0x7, s10;
	s13 =	sadd.s32 @!p1 s2, s13;
	s12 =	sand.u32 @!p1 $0x20, s12  }
0x16: {  	[tilespmem:s12], [sflag:$0x2] =	stream.linear.gather @!p1 [hbm4b:s13+s14], $0x20, $0x38;
	[tilespmem:$0x10040] =	vst v63  }
0x17: {  	p1 =	seq.s32 s9, $0x0  }
0x18: {  	p2 =	seq.s32 @!p1 s9, $0x9  }
0x19: {  	p1 =	por p1, p2  }
.Ltmp2:
0x1a: {  	_ = 	snop;
	(pc) =	sbr.rel @p1 .LBB2_9-.Ltmp2, $1  }
0x1b: {  	_ =	sdelay $0x3  }
0x1c: {  	s12 =	simm.s32 $0x1  }
0x1d: {  	_ =	swait.ge [sflag:s5], $0x20;
	s13 =	sand.u32 $0x1, s9;
	s12 =	simm.s32 @!p0 $0x0  }
0x1e: {  	s15 =	simm.s32 $0x0;
	p2 =	por $0x1, $0x1;
	s12 =	sshll.u32 s12, $0x11  }
0x1f: {  	[sflag:s5] =	ssyncset.done $0x0;
	s13 =	sshll.u32 s13, $0x5;
	s14 =	sshrl.u32 s12, $0x2  }
0x20: {  	[sflag:s5] =	ssyncadd.s32 $0xFFFFFFE0;
	s12 =	sor.u32 $0x40, s14;
	s14 =	sadd.s32 $0x40, s14  }
.LBB2_3:
0x21: {  	s16 =	sshll.u32 s15, $0x4  }
0x22: {  	s16 =	sand.u32 $0x3FFFFFF0, s16  }
0x23: {  	s16 =	sadd.s32 s16, s13  }
0x24: {  	v0 =	vld.msk [tilespmem:s16+$0x0 ss:$0x1], $0xffff;
	_ =	sdelay $0x4  }
0x25: {  	vm2 =	vgt.s32 v0, $0x0  }
0x26: {  	v0 =	vnsel vm2, $0x0, v0  }
0x27: {  	v0 =	vmin.u32 v0, $0x47FF  }
0x28: {  	v1 =	vshll.u32 v0, $0x7;
	v0 =	vshll.u32 v0, $0x4  }
0x29: {  	v1 =	vand.u32 $0x3FFC00, v1;
	v0 =	vand.u32 $0x70, v0  }
0x2a: {  	v0 =	vor.u32 v0, v1  }
0x2b: {  	s31 =	sshll.u32 s15, $0x10  }
0x2c: {  	s15 =	sshra.s32 s31, $0x2  }
0x2d: {  	s15 =	sadd.s32 s15, s14  }
0x2e: {  	s17 =	sadd.s32 $0x0, s15  }
0x2f: {  	[tilespmem:s17], [sflag:$0x1] =	stream.indirect_vreg.gather [hbm:s3], $0x80, v0, vm0, $0x38;
	[tilespmem:$0x10040] =	vst v63  }
0x30: {  	p1 =	por p2, p2;
	s16 =	simm.s32 $0x1000;
	v1 =	vadd.s32 $0x80, v0;
	s17 =	sadd.s32 $0x2000, s17  }
.LBB2_4:
0x31: {  	[tilespmem:s17], [sflag:$0x1] =	stream.indirect_vreg.gather [hbm:s3], $0x80, v0, vm1, $0x38;
	[tilespmem:$0x10040] =	vst v63  }
0x32: {  	v0 =	vmov v1;
	s17 =	smov.u32 s16;
	p2 =	sne.s32 s16, $0x7000  }
.Ltmp3:
0x33: {  	s16 =	sadd.s32 $0x1000, s16;
	(pc) =	sbr.rel @p2 .LBB2_4-.Ltmp3, $4  }
0x34: {  	s17 =	sshra.s32 s17, $0x2  }
0x35: {  	s17 =	sadd.s32 s17, s15  }
0x36: {  	[tilespmem:s17], [sflag:$0x1] =	stream.indirect_vreg.gather [hbm:s3], $0x80, v1, vm0, $0x38;
	[tilespmem:$0x10040] =	vst v63  }
0x37: {  	s17 =	sadd.s32 $0x2000, s17;
	v1 =	vadd.s32 $0x80, v1  }
0x38: {  	_ = 	snop  }
.Ltmp4:
0x39: {  	_ = 	snop;
	(pc) =	sbr.rel @p1 .LBB2_3-.Ltmp4, $3  }
0x3a: {  	_ =	sdelay $0x1  }
0x3b: {  	[tilespmem:s17], [sflag:$0x1] =	stream.indirect_vreg.gather [hbm:s3], $0x80, v0, vm1, $0x38;
	[tilespmem:$0x10040] =	vst v63  }
0x3c: {  	s15 =	simm.s32 $0x1;
	p2 =	por $0x0, $0x0  }
0x3d: {  	s13 =	sshll.u32 s11, $0x7  }
0x3e: {  	s31 =	sshll.u32 s11, $0x4;
	s13 =	sand.u32 $0xFFFFFC00, s13  }
0x3f: {  	_ =	swait.ge [sflag:s4], $0x8000;
	s11 =	sand.u32 $0x70, s31;
	s13 =	sadd.s32 s13, s7  }
0x40: {  	s14 =	sadd.s32 $0x2000, s12;
	[sflag:s4] =	ssyncset.done $0x0;
	s11 =	sadd.s32 s11, s13  }
0x41: {  	[sflag:s4] =	ssyncadd.s32 $0xFFFF8000;
	s13 =	simm.s32 $0x400;
	s15 =	sadd.s32 $0x0, s11  }
.LBB2_7:
0x42: {  	[hbm:s15] =	stream.linear.scatter [tilespmem:s12], [sflag:$0x3], $0x2000, $0x38;
	[tilespmem:$0x10040] =	vst v63  }
0x43: {  	s15 =	smov.u32 s13;
	s12 =	smov.u32 s14;
	p1 =	sne.s32 s13, $0xC00  }
.Ltmp5:
0x44: {  	s13 =	sadd.s32 $0x400, s13;
	(pc) =	sbr.rel @p1 .LBB2_7-.Ltmp5, $2  }
0x45: {  	_ =	sdelay $0x2  }
0x46: {  	s14 =	sadd.s32 $0x2000, s14;
	s15 =	sadd.s32 s15, s11  }
.Ltmp6:
0x47: {  	(pc) =	sbr.rel .LBB2_9-.Ltmp6, $2  }
0x48: {  	_ =	sdelay $0x2  }
0x49: {  	[hbm:s15] =	stream.linear.scatter [tilespmem:s12], [sflag:$0x3], $0x2000, $0x38;
	[tilespmem:$0x10040] =	vst v63  }
.LBB2_10:
0x4a: {  	_ =	sfence.sel $0x180000  }
0x4b: {  	s2 =	simm.s32 $0x2;
	[bflag:$0x0] =	sbarrier.arrive $0xFFFF  }
0x4c: {  	s30 =	simm.s32 $0x3;
	[sflag:s2] =	ssyncpa.u1 $0x1  }
0x4d: {  	s31 =	simm.s32 $0x1;
	[sflag:s30] =	ssyncpa.u1 $0x1  }
0x4e: {  	[sflag:s31] =	ssyncpa.u1 $0x1  }
0x4f: {  	p0 =	sne.s32 s1, $0x0;
	_ =	strace $0x9000004D  }
0x50: {  	s0 =	sadd.s32 @!p0 $0x100000, s0;
	[bflag:$0x2] =	sbarrier.arrive $0xFFFF  }
0x51: {  	[sflag:s0] =	ssyncadd.tile.s32 @!p0 $0x1;
	_ =	shalt  }
.Lfunc_end2:
_tile_overlayer_lowered:
.L_overlay_start_2:
0x52: {  	(tag) =	ssettag $0x2  }
0x53: {  	s0 =	rddreg [dreg:$0x0];
	s2 =	stileid.u32  }
0x54: {  	s1 =	rddreg [dreg:$0x1];
	p0 =	sne.s32 s2, $0x0  }
0x55: {  	s3 =	rddreg [dreg:$0x2];
	[bflag:$0x3] =	sbarrier.arrive $0xFFFF;
	s2 =	simm.s32 @!p0 $0x1C01  }
0x56: {  	[timem:s3], [sflag:s2] =	dma.local @!p0 [hbm:s0], s1  }
0x57: {  	s0 =	simm.s32 @!p0 $0x1  }
0x58: {  	_ =	swait.ge @!p0 [sflag:s0], s1  }
0x59: {  	s1 =	ssub.s32 @!p0 $0x0, s1;
	[sflag:s0] =	ssyncset.done @!p0 $0x0  }
0x5a: {  	[sflag:s0] =	ssyncadd.s32 @!p0 s1  }
0x5b: {  	[bflag:$0x3] =	sbarrier.arrive $0xFFFF  }
0x5c: {  	_ =	shalt  }

// kernel: gather_offload_async_start
scs
__scs_entry_jumppad:
0x0: {  	(pc) =	sbr.rel $0x88, $3  }
0x1: {  	(tag) =	ssettag $0x0;
	lr =	simm.s32 $0x1  }
0x2: {  	[smem:$0x3F9A] =	sst lr;
	_ =	strace $0xD0000000  }
0x3: {  	_ = 	snop  }
0x4: {  	_ = 	snop  }
0x5: {  	_ = 	snop  }
0x6: {  	_ = 	snop  }
0x7: {  	_ = 	snop  }
__scs_overlays_trampoline_lowered:
0x8: {  	[smem:$0x3FA9] =	sst s0  }
0x9: {  	[smem:$0x3FAA] =	sst s1  }
0xa: {  	[smem:$0x3FAB] =	sst s2  }
0xb: {  	[smem:$0x3FAC] =	sst s3  }
0xc: {  	[smem:$0x3FAD] =	sst s4  }
0xd: {  	[smem:$0x3FAE] =	sst s5  }
0xe: {  	[smem:$0x3FAF] =	sst s6  }
0xf: {  	[smem:$0x3FB0] =	sst s7  }
0x10: {  	[smem:$0x3FB1] =	sst s8  }
0x11: {  	[smem:$0x3FB2] =	sst s9;
	s0 =	simm.s32 @!p0 $0x0  }
0x12: {  	s1 =	sld [smem:$0x3F98];
	s0 =	simm.s32 @p0 $0x1  }
0x13: {  	[smem:$0x3FB3] =	sst s0;
	s0 =	simm.s32 @!p1 $0x0  }
0x14: {  	s2 =	sld [smem:$0x3F97];
	s0 =	simm.s32 @p1 $0x1  }
0x15: {  	[smem:$0x3FB4] =	sst s0;
	s0 =	simm.s32 @!p2 $0x0  }
0x16: {  	s3 =	sld [smem:$0x3FDB];
	s0 =	simm.s32 @p2 $0x1  }
0x17: {  	s4 =	simm.s32 $0x1BF5;
	[smem:$0x3FB6] =	sst s0  }
0x18: {  	s0 =	sld [smem:$0x3F99];
	_ =	swait.ge [sflag:s4], $0x0  }
0x19: {  	s7 =	sld [smem:$0x3F9A]  }
0x1a: {  	s8 =	sadd.s32 $0xFFFFE003, lr  }
0x1b: {  	s9 =	sadd.s32 $0xFFFFFEF7, lr;
	s5 =	simm.s32 $0xFFFFFFFF;
	p2 =	slt.u32 s8, $0xFFFFF086  }
0x1c: {  	p1 =	slt.u32 s9, $0xF7A;
	s5 =	simm.s32 @!p2 $0x0  }
0x1d: {  	s5 =	simm.s32 @p1 $0x1;
	p0 =	seq.s32 s7, s2  }
0x1e: {  	s7 =	smul.u32 @!p0 $0xF7A, s2;
	p2 =	seq.s32 @!p0 s5, $0x0  }
0x1f: {  	s9 =	smul.u32 $0xF7A, s1;
	s8 =	simm.s32 @!p0 $0x1BF5;
	p2 =	por !p2, p0  }
0x20: {  	[sflag:s8] =	ssyncset.s32 @!p0 $0xFFFFF086;
	s6 =	sadd.s32 @!p0 s3, s7;
	s7 =	simm.s32 @!p0 $0x108  }
0x21: {  	s3 =	sadd.s32 s3, s9;
	s6 =	sadd.s32 @!p0 $0x88, s6;
	s7 =	simm.s32 @p2 $0x1082  }
0x22: {  	[simem:s7], [sflag:s8] =	dma.local @!p0 [hbm:s6], $0xF7A  }
0x23: {  	s9 =	sor.u32 $0xD0000000, s2;
	s6 =	simm.s32 $0x108;
	_ =	swait.ge @!p0 [sflag:s8], $0x0  }
0x24: {  	s3 =	sadd.s32 $0x88, s3;
	s6 =	simm.s32 @!p1 $0x1082;
	[sflag:s4] =	ssyncset.s32 $0xFFFFF086  }
0x25: {  	[simem:s6], [sflag:s4] =	dma.local [hbm:s3], $0xF7A  }
0x26: {  	[smem:$0x3F9A] =	sst s1;
	(tag) =	ssettag s2;
	_ =	strace s9  }
0x27: {  	s1 =	sld [smem:$0x3FAA]  }
0x28: {  	s2 =	sld [smem:$0x3FAB]  }
0x29: {  	s4 =	sld [smem:$0x3FAD]  }
0x2a: {  	p0 =	seq.s32 s5, $0x0;
	s5 =	sld [smem:$0x3FAE]  }
0x2b: {  	s6 =	sld [smem:$0x3FAF]  }
0x2c: {  	s7 =	sld [smem:$0x3FB0]  }
0x2d: {  	s3 =	simm.s32 $0x108;
	s8 =	sld [smem:$0x3FB1]  }
0x2e: {  	s3 =	simm.s32 @!p0 $0x1082;
	s9 =	sld [smem:$0x3FB2]  }
0x2f: {  	lr =	sadd.s32 s0, s3;
	s0 =	sld [smem:$0x3FA9]  }
0x30: {  	s3 =	sld [smem:$0x3FAC]  }
0x31: {  	[smem:$0x3FB5] =	sst s10  }
0x32: {  	s10 =	sld [smem:$0x3FB3];
	_ =	sdelay $0x3  }
0x33: {  	p0 =	seq.s32 s10, $0x1;
	s10 =	sld [smem:$0x3FB5];
	_ =	sdelay $0x3  }
0x34: {  	[smem:$0x3FB5] =	sst s10  }
0x35: {  	s10 =	sld [smem:$0x3FB4];
	_ =	sdelay $0x3  }
0x36: {  	p1 =	seq.s32 s10, $0x1;
	s10 =	sld [smem:$0x3FB5];
	_ =	sdelay $0x3  }
0x37: {  	[smem:$0x3FB5] =	sst s10  }
0x38: {  	s10 =	sld [smem:$0x3FB6]  }
0x39: {  	_ = 	snop;
	(pc) =	sbr.ind lr, $3  }
0x3a: {  	_ = 	snop  }
0x3b: {  	_ = 	snop  }
0x3c: {  	p2 =	seq.s32 s10, $0x1;
	s10 =	sld [smem:$0x3FB5]  }
0x3d: {  	_ =	shalt  }
0x3e: {  	_ =	shalt  }
0x3f: {  	_ =	shalt  }
0x40: {  	_ =	shalt  }
0x41: {  	_ =	shalt  }
0x42: {  	_ =	shalt  }
0x43: {  	_ =	shalt  }
0x44: {  	_ =	shalt  }
0x45: {  	_ =	shalt  }
0x46: {  	_ =	shalt  }
0x47: {  	_ =	shalt  }
0x48: {  	_ =	shalt  }
0x49: {  	_ =	shalt  }
0x4a: {  	_ =	shalt  }
0x4b: {  	_ =	shalt  }
0x4c: {  	_ =	shalt  }
0x4d: {  	_ =	shalt  }
0x4e: {  	_ =	shalt  }
0x4f: {  	_ =	shalt  }
0x50: {  	_ =	shalt  }
0x51: {  	_ =	shalt  }
0x52: {  	_ =	shalt  }
0x53: {  	_ =	shalt  }
0x54: {  	_ =	shalt  }
0x55: {  	_ =	shalt  }
0x56: {  	_ =	shalt  }
0x57: {  	_ =	shalt  }
0x58: {  	_ =	shalt  }
0x59: {  	_ =	shalt  }
0x5a: {  	_ =	shalt  }
0x5b: {  	_ =	shalt  }
0x5c: {  	_ =	shalt  }
0x5d: {  	_ =	shalt  }
0x5e: {  	_ =	shalt  }
0x5f: {  	_ =	shalt  }
0x60: {  	_ =	shalt  }
0x61: {  	_ =	shalt  }
0x62: {  	_ =	shalt  }
0x63: {  	_ =	shalt  }
0x64: {  	_ =	shalt  }
0x65: {  	_ =	shalt  }
0x66: {  	_ =	shalt  }
0x67: {  	_ =	shalt  }
0x68: {  	_ =	shalt  }
0x69: {  	_ =	shalt  }
0x6a: {  	_ =	shalt  }
0x6b: {  	_ =	shalt  }
0x6c: {  	_ =	shalt  }
0x6d: {  	_ =	shalt  }
0x6e: {  	_ =	shalt  }
0x6f: {  	_ =	shalt  }
0x70: {  	_ =	shalt  }
0x71: {  	_ =	shalt  }
0x72: {  	_ =	shalt  }
0x73: {  	_ =	shalt  }
0x74: {  	_ =	shalt  }
0x75: {  	_ =	shalt  }
0x76: {  	_ =	shalt  }
0x77: {  	_ =	shalt  }
0x78: {  	_ =	shalt  }
0x79: {  	_ =	shalt  }
0x7a: {  	_ =	shalt  }
0x7b: {  	_ =	shalt  }
0x7c: {  	_ =	shalt  }
0x7d: {  	_ =	shalt  }
0x7e: {  	_ =	shalt  }
0x7f: {  	_ =	shalt  }
0x80: {  	_ =	shalt  }
0x81: {  	_ =	shalt  }
0x82: {  	_ =	shalt  }
0x83: {  	_ =	shalt  }
0x84: {  	_ =	shalt  }
0x85: {  	_ =	shalt  }
0x86: {  	_ =	shalt  }
0x87: {  	_ =	shalt  }
.Lfunc_end0:
.L_simem_size_0:
called_computation.1_lowered:
.L_overlay_start_0:
0x88: {  	s2 =	sld [smem:$0x3FD9]  }
0x89: {  	s3 =	sld [smem:$0x3FFE];
	_ =	sdelay $0x1  }
0x8a: {  	s1 =	srdreg.scid  }
0x8b: {  	s0 =	sand.u32 $0x1, s1  }
0x8c: {  	s17 =	sshll.u32 s0, $0xA;
	s2 =	sadd.s32 s3, s2  }
0x8d: {  	s2 =	sadd.s32 s2, s17  }
0x8e: {  	[smem:$0x3FC1] =	sst s2  }
0x8f: {  	_ = 	snop  }
0x90: {  	s2 =	sld [smem:$0x3FC9];
	(tm) =	ssettm $0x1  }
0x91: {  	s18 =	sld [smem:$0x3FFB];
	_ =	sdelay $0x3  }
0x92: {  	_ =	strace s18  }
0x93: {  	s3 =	sld [smem:$0x3FFC];
	_ =	sdelay $0x3  }
0x94: {  	_ =	strace s3  }
0x95: {  	s3 =	sld [smem:$0x3FFD];
	_ =	sdelay $0x3  }
0x96: {  	_ =	strace s3  }
0x97: {  	_ =	strace $0x8FFFFFFF  }
0x98: {  	s19 =	sld [smem:$0x3FDB];
	_ =	sdelay $0x1  }
0x99: {  	s4 =	simm.s32 $_scs_section_size  }
0x9a: {  	s5 =	simm.s32 $_size__tile_overlayer_lowered;
	s6 =	simm.s32 $_tile_overlayer_lowered  }
0x9b: {  	s22 =	simm.s32 $0x1BFF;
	s21 =	sshll.u32 s6, $0x1;
	s3 =	sadd.s32 s4, s19  }
0x9c: {  	s7 =	simm.s32 $0x0;
	s20 =	sshll.u32 s5, $0x1;
	s5 =	sadd.s32 s21, s3  }
0x9d: {  	[timem:s7], [sflag:s22] =	dma.local [hbm:s5], s20  }
0x9e: {  	_ =	swait.ge [sflag:s22], s20  }
0x9f: {  	s4 =	ssub.s32 $0x0, s20;
	[sflag:s22] =	ssyncset.done $0x0  }
0xa0: {  	[sflag:s22] =	ssyncadd.s32 s4;
	_ =	sdelay $0x1  }
0xa1: {  	s23 =	simm.s32 $0x1B8B  }
0xa2: {  	_ =	swait.ge [sflag:s23], $0x1  }
0xa3: {  	[sflag:s23] =	ssyncset.done $0x0  }
0xa4: {  	s25 =	simm.s32 $0x1B8E;
	s24 =	sld [smem:$0x3FFE];
	[sflag:s23] =	ssyncadd.s32 $0xFFFFFFFF  }
0xa5: {  	s26 =	simm.s32 $execute0_lowered;
	[smem:$0x3FD2] =	sst s25  }
0xa6: {  	s5 =	sshll.u32 s26, $0x1;
	_ =	strace $0x80000049;
	[dreg:$0x1] =	wrdreg $0xFFFFFFFF  }
0xa7: {  	s28 =	simm.s32 $_size_execute0_lowered;
	s3 =	sadd.s32 s3, s5;
	[dreg:$0x0] =	wrdreg $0x0  }
0xa8: {  	s5 =	sshll.u32 s28, $0x1;
	[dreg:$0x2] =	wrdreg s3  }
0xa9: {  	[dreg:$0x3] =	wrdreg s5  }
0xaa: {  	[dreg:$0x4] =	wrdreg $0xC0  }
0xab: {  	_ =	task [dreg:s7], $0x5FFFF  }
0xac: {  	[dreg:$0x1] =	wrdreg $0xFFFFFFFF  }
0xad: {  	[dreg:$0x0] =	wrdreg $0x60  }
0xae: {  	[dreg:$0x2] =	wrdreg s2  }
0xaf: {  	[dreg:$0x3] =	wrdreg s24  }
0xb0: {  	[dreg:$0x4] =	wrdreg $0x9  }
0xb1: {  	_ =	task.clear_ibuf [dreg:s7], $0x5FFFF;
	_ =	strace $0x90000049  }
0xb2: {  	s29 =	simm.s32 $0x9;
	_ =	strace $0x8000004B  }
0xb3: {  	_ =	swait.ge [sflag:s29], $0x1  }
0xb4: {  	[sflag:s29] =	ssyncadd.s32 $0xFFFFFFFF  }
0xb5: {  	_ =	strace $0x9000004B  }
0xb6: {  	_ =	sfence  }
0xb7: {  	s30 =	sld [smem:$0x0];
	_ =	sdelay $0x2  }
0xb8: {  	s31 =	sshll.u32 s1, $0xD;
	s1 =	sshrl.u32 s1, $0x2  }
0xb9: {  	s3 =	sand.u32 $0x4000, s31;
	s1 =	sadd.s32 s1, s30  }
0xba: {  	s0 =	sor.u32 s3, s0;
	s1 =	sshll.u32 s1, $0x11  }
0xbb: {  	s0 =	sor.u32 s1, s0  }
0xbc: {  	s0 =	sadd.s32 $0x8F2B, s0  }
0xbd: {  	[sflag:s0] =	ssyncadd.remote.s32 $0x1  }
0xbe: {  	_ =	sfence.sel $0xFFFF  }
0xbf: {  	[dreg:$0x0] =	wrdreg $0xFFFFFFFF;
	(pc) =	sbr.abs _section_cstart, $3  }
0xc0: {  	[dreg:$0x1] =	wrdreg $0xFFFFFFFF  }
0xc1: {  	_ =	task.clear_ibuf [dreg:s7], $0x2FFFF;
	_ =	strace $0x9FFFFFFF  }
0xc2: {  	(tm) =	ssettm $0x7FFFFFFF  }
0xc3: {  	_ =	shalt  }
tec
execute0_lowered:
.L_overlay_start_1:
0x0: {  	(tag) =	ssettag $0x1  }
0x1: {  	s2 =	rddreg [dreg:$0x0]  }
0x2: {  	s0 =	srdreg.scid;
	s7 =	rddreg [dreg:$0x1]  }
0x3: {  	s1 =	stileid.u32;
	s5 =	simm.s32 $0x2;
	s9 =	simm.s32 $0x3  }
0x4: {  	s3 =	sshll.u32 s0, $0x4;
	s0 =	rddreg [dreg:$0x2];
	_ =	strace $0x8000004A  }
.Ltmp0:
0x5: {  	s4 =	sand.u32 $0x10, s3;
	s3 =	simm.s32 $0x1;
	(pc) =	sbr.rel .LBB2_1-.Ltmp0, $4  }
0x6: {  	s11 =	simm.s32 $0x0;
	s4 =	sor.u32 s1, s4;
	[sflag:s3] =	ssyncpa.u1 $0x0  }
0x7: {  	p0 =	por $0x0, $0x0;
	s4 =	smul.u32 $0x240, s4;
	[sflag:s5] =	ssyncpa.u1 $0x0  }
0x8: {  	s6 =	sadd.s32 $0x21200, s7;
	s7 =	sadd.s32 $0x21C00, s7;
	[sflag:s9] =	ssyncpa.u1 $0x0  }
0x9: {  	vm0 =	vmmov $0xff;
	vm1 =	vcmask $0x3F20;
	s9 =	simm.s32 $0x0;
	s8 =	sadd.s32 $0x240, s4;
	s10 =	smov.u32 s4  }
.LBB2_9:
0xa: {  	p1 =	slt.u32 s9, $0x2;
	s11 =	sadd.s32 $0x30, s10  }
0xb: {  	s13 =	smov.u32 s4;
	s9 =	sadd.s32 $0x1, s9;
	p2 =	slt.s32 s11, s8  }
0xc: {  	s13 =	smov.u32 @p2 s11;
	p2 =	sne.s32 s9, $0xE  }
.Ltmp1:
0xd: {  	_ = 	snop;
	(pc) =	sbr.rel @!p2 .LBB2_10-.Ltmp1, $4  }
0xe: {  	s12 =	simm.s32 @!p1 $0x3  }
0xf: {  	_ =	swait.ge @!p1 [sflag:s12], $0xC000  }
0x10: {  	p0 =	por !p0, !p0;
	[sflag:s12] =	ssyncset.done @!p1 $0x0  }
0x11: {  	s11 =	smov.u32 s10;
	s10 =	smov.u32 s13;
	[sflag:s12] =	ssyncadd.s32 @!p1 $0xFFFF4000  }
.LBB2_1:
0x12: {  	p1 =	sgt.u32 s9, $0xB  }
0x13: {  	s12 =	sxor.u32 @!p1 $0xFFFFFFFF, s9  }
0x14: {  	s12 =	sand.u32 @!p1 $0x1, s12  }
0x15: {  	s12 =	smul.u32 @!p1 $0xC0, s12  }
0x16: {  	s31 =	sadd.s32 $0xFFFFFFFF, s9;
	s13 =	sshrl.u32 @!p1 s10, $0x3  }
0x17: {  	s14 =	sand.u32 @!p1 $0x7, s10;
	s13 =	sadd.s32 @!p1 s6, s13;
	s12 =	sshrl.u32 @!p1 s12, $0x2  }
0x18: {  	[tilespmem:s12], [sflag:$0x2] =	stream.linear.gather @!p1 [hbm4b:s13+s14], $0x30, $0x38;
	[tilespmem:$0x18060] =	vst v63  }
0x19: {  	p1 =	sgt.u32 s31, $0xB  }
.Ltmp2:
0x1a: {  	_ = 	snop;
	(pc) =	sbr.rel @p1 .LBB2_9-.Ltmp2, $1  }
0x1b: {  	_ =	sdelay $0x3  }
0x1c: {  	s12 =	simm.s32 $0x1  }
0x1d: {  	s12 =	simm.s32 @!p0 $0x0  }
0x1e: {  	s12 =	smul.u32 $0x30000, s12  }
0x1f: {  	s13 =	sand.u32 $0x1, s9  }
0x20: {  	_ =	swait.ge [sflag:s5], $0x30;
	s13 =	smul.u32 $0xC0, s13;
	s12 =	sshrl.u32 s12, $0x2  }
0x21: {  	s14 =	simm.s32 $0x0;
	[sflag:s5] =	ssyncset.done $0x0;
	s12 =	sor.u32 $0x60, s12  }
0x22: {  	[sflag:s5] =	ssyncadd.s32 $0xFFFFFFD0;
	s13 =	sshrl.u32 s13, $0x2;
	s15 =	smov.u32 s12  }
.LBB2_3:
0x23: {  	s16 =	sshll.u32 s14, $0x4  }
0x24: {  	s16 =	sand.u32 $0x3FFFFFF0, s16  }
0x25: {  	s16 =	sadd.s32 s16, s13  }
0x26: {  	v0 =	vld.msk [tilespmem:s16+$0x0 ss:$0x1], $0xffff;
	_ =	sdelay $0x4  }
0x27: {  	vm2 =	vgt.s32 v0, $0x0  }
0x28: {  	v0 =	vnsel vm2, $0x0, v0  }
0x29: {  	v0 =	vmin.u32 v0, $0x1FFF  }
0x2a: {  	v1 =	vshll.u32 v0, $0x7;
	v0 =	vshll.u32 v0, $0x4  }
0x2b: {  	v1 =	vand.u32 $0xFFC00, v1;
	v0 =	vand.u32 $0x70, v0  }
0x2c: {  	v0 =	vor.u32 v0, v1;
	_ =	sdelay $0x3  }
0x2d: {  	s17 =	sadd.s32 $0x0, s15  }
0x2e: {  	[tilespmem:s17], [sflag:$0x1] =	stream.indirect_vreg.gather [hbm:s2], $0x80, v0, vm0, $0x38;
	[tilespmem:$0x18060] =	vst v63  }
0x2f: {  	s16 =	simm.s32 $0x1000;
	v1 =	vadd.s32 $0x80, v0;
	s17 =	sadd.s32 $0x2000, s17  }
.LBB2_4:
0x30: {  	[tilespmem:s17], [sflag:$0x1] =	stream.indirect_vreg.gather [hbm:s2], $0x80, v0, vm1, $0x38;
	[tilespmem:$0x18060] =	vst v63  }
0x31: {  	v0 =	vmov v1;
	s17 =	smov.u32 s16;
	p1 =	sne.s32 s16, $0x7000  }
.Ltmp3:
0x32: {  	s16 =	sadd.s32 $0x1000, s16;
	(pc) =	sbr.rel @p1 .LBB2_4-.Ltmp3, $4  }
0x33: {  	s17 =	sshra.s32 s17, $0x2  }
0x34: {  	s17 =	sadd.s32 s17, s15  }
0x35: {  	[tilespmem:s17], [sflag:$0x1] =	stream.indirect_vreg.gather [hbm:s2], $0x80, v1, vm0, $0x38;
	[tilespmem:$0x18060] =	vst v63  }
0x36: {  	s17 =	sadd.s32 $0x2000, s17;
	v1 =	vadd.s32 $0x80, v1  }
0x37: {  	s14 =	sadd.s32 $0x1, s14  }
0x38: {  	p1 =	sne.s32 s14, $0x3  }
.Ltmp4:
0x39: {  	_ = 	snop;
	(pc) =	sbr.rel @p1 .LBB2_3-.Ltmp4, $3  }
0x3a: {  	_ =	sdelay $0x1  }
0x3b: {  	[tilespmem:s17], [sflag:$0x1] =	stream.indirect_vreg.gather [hbm:s2], $0x80, v0, vm1, $0x38;
	[tilespmem:$0x18060] =	vst v63  }
0x3c: {  	s15 =	sadd.s32 $0x4000, s15  }
0x3d: {  	s13 =	sshll.u32 s11, $0x7  }
0x3e: {  	s31 =	sshll.u32 s11, $0x4;
	s13 =	sand.u32 $0xFFFFFC00, s13  }
0x3f: {  	_ =	swait.ge [sflag:s3], $0xC000;
	s11 =	sand.u32 $0x70, s31;
	s13 =	sadd.s32 s13, s7  }
0x40: {  	s14 =	sadd.s32 $0x2000, s12;
	[sflag:s3] =	ssyncset.done $0x0;
	s11 =	sadd.s32 s11, s13  }
0x41: {  	[sflag:s3] =	ssyncadd.s32 $0xFFFF4000;
	s13 =	simm.s32 $0x400;
	s15 =	sadd.s32 $0x0, s11  }
.LBB2_7:
0x42: {  	[hbm:s15] =	stream.linear.scatter [tilespmem:s12], [sflag:$0x3], $0x2000, $0x38;
	[tilespmem:$0x18060] =	vst v63  }
0x43: {  	s15 =	smov.u32 s13;
	s12 =	smov.u32 s14;
	p1 =	sne.s32 s13, $0x1400  }
.Ltmp5:
0x44: {  	s13 =	sadd.s32 $0x400, s13;
	(pc) =	sbr.rel @p1 .LBB2_7-.Ltmp5, $2  }
0x45: {  	_ =	sdelay $0x2  }
0x46: {  	s14 =	sadd.s32 $0x2000, s14;
	s15 =	sadd.s32 s15, s11  }
.Ltmp6:
0x47: {  	(pc) =	sbr.rel .LBB2_9-.Ltmp6, $2  }
0x48: {  	_ =	sdelay $0x2  }
0x49: {  	[hbm:s15] =	stream.linear.scatter [tilespmem:s12], [sflag:$0x3], $0x2000, $0x38;
	[tilespmem:$0x18060] =	vst v63  }
.LBB2_10:
0x4a: {  	_ =	sfence.sel $0x180000  }
0x4b: {  	s2 =	simm.s32 $0x2;
	[bflag:$0x0] =	sbarrier.arrive $0xFFFF  }
0x4c: {  	s30 =	simm.s32 $0x3;
	[sflag:s2] =	ssyncpa.u1 $0x1  }
0x4d: {  	s31 =	simm.s32 $0x1;
	[sflag:s30] =	ssyncpa.u1 $0x1  }
0x4e: {  	[sflag:s31] =	ssyncpa.u1 $0x1  }
0x4f: {  	p0 =	sne.s32 s1, $0x0;
	_ =	strace $0x9000004A  }
0x50: {  	s0 =	sadd.s32 @!p0 $0x100000, s0;
	[bflag:$0x2] =	sbarrier.arrive $0xFFFF  }
0x51: {  	[sflag:s0] =	ssyncadd.tile.s32 @!p0 $0x1;
	_ =	shalt  }
.Lfunc_end2:
_tile_overlayer_lowered:
.L_overlay_start_2:
0x52: {  	(tag) =	ssettag $0x2  }
0x53: {  	s0 =	rddreg [dreg:$0x0];
	s2 =	stileid.u32  }
0x54: {  	s1 =	rddreg [dreg:$0x1];
	p0 =	sne.s32 s2, $0x0  }
0x55: {  	s3 =	rddreg [dreg:$0x2];
	[bflag:$0x3] =	sbarrier.arrive $0xFFFF;
	s2 =	simm.s32 @!p0 $0x1C01  }
0x56: {  	[timem:s3], [sflag:s2] =	dma.local @!p0 [hbm:s0], s1  }
0x57: {  	s0 =	simm.s32 @!p0 $0x1  }
0x58: {  	_ =	swait.ge @!p0 [sflag:s0], s1  }
0x59: {  	s1 =	ssub.s32 @!p0 $0x0, s1;
	[sflag:s0] =	ssyncset.done @!p0 $0x0  }
0x5a: {  	[sflag:s0] =	ssyncadd.s32 @!p0 s1  }
0x5b: {  	[bflag:$0x3] =	sbarrier.arrive $0xFFFF  }
0x5c: {  	_ =	shalt  }

// kernel: scatter_offload_async_start
scs
__scs_entry_jumppad:
0x0: {  	(pc) =	sbr.rel $0x88, $3  }
0x1: {  	(tag) =	ssettag $0x0;
	lr =	simm.s32 $0x1  }
0x2: {  	[smem:$0x3F9A] =	sst lr;
	_ =	strace $0xD0000000  }
0x3: {  	_ = 	snop  }
0x4: {  	_ = 	snop  }
0x5: {  	_ = 	snop  }
0x6: {  	_ = 	snop  }
0x7: {  	_ = 	snop  }
__scs_overlays_trampoline_lowered:
0x8: {  	[smem:$0x3FA9] =	sst s0  }
0x9: {  	[smem:$0x3FAA] =	sst s1  }
0xa: {  	[smem:$0x3FAB] =	sst s2  }
0xb: {  	[smem:$0x3FAC] =	sst s3  }
0xc: {  	[smem:$0x3FAD] =	sst s4  }
0xd: {  	[smem:$0x3FAE] =	sst s5  }
0xe: {  	[smem:$0x3FAF] =	sst s6  }
0xf: {  	[smem:$0x3FB0] =	sst s7  }
0x10: {  	[smem:$0x3FB1] =	sst s8  }
0x11: {  	[smem:$0x3FB2] =	sst s9;
	s0 =	simm.s32 @!p0 $0x0  }
0x12: {  	s1 =	sld [smem:$0x3F98];
	s0 =	simm.s32 @p0 $0x1  }
0x13: {  	[smem:$0x3FB3] =	sst s0;
	s0 =	simm.s32 @!p1 $0x0  }
0x14: {  	s2 =	sld [smem:$0x3F97];
	s0 =	simm.s32 @p1 $0x1  }
0x15: {  	[smem:$0x3FB4] =	sst s0;
	s0 =	simm.s32 @!p2 $0x0  }
0x16: {  	s3 =	sld [smem:$0x3FDB];
	s0 =	simm.s32 @p2 $0x1  }
0x17: {  	s4 =	simm.s32 $0x1BF5;
	[smem:$0x3FB6] =	sst s0  }
0x18: {  	s0 =	sld [smem:$0x3F99];
	_ =	swait.ge [sflag:s4], $0x0  }
0x19: {  	s7 =	sld [smem:$0x3F9A]  }
0x1a: {  	s8 =	sadd.s32 $0xFFFFE003, lr  }
0x1b: {  	s9 =	sadd.s32 $0xFFFFFEF7, lr;
	s5 =	simm.s32 $0xFFFFFFFF;
	p2 =	slt.u32 s8, $0xFFFFF086  }
0x1c: {  	p1 =	slt.u32 s9, $0xF7A;
	s5 =	simm.s32 @!p2 $0x0  }
0x1d: {  	s5 =	simm.s32 @p1 $0x1;
	p0 =	seq.s32 s7, s2  }
0x1e: {  	s7 =	smul.u32 @!p0 $0xF7A, s2;
	p2 =	seq.s32 @!p0 s5, $0x0  }
0x1f: {  	s9 =	smul.u32 $0xF7A, s1;
	s8 =	simm.s32 @!p0 $0x1BF5;
	p2 =	por !p2, p0  }
0x20: {  	[sflag:s8] =	ssyncset.s32 @!p0 $0xFFFFF086;
	s6 =	sadd.s32 @!p0 s3, s7;
	s7 =	simm.s32 @!p0 $0x108  }
0x21: {  	s3 =	sadd.s32 s3, s9;
	s6 =	sadd.s32 @!p0 $0x88, s6;
	s7 =	simm.s32 @p2 $0x1082  }
0x22: {  	[simem:s7], [sflag:s8] =	dma.local @!p0 [hbm:s6], $0xF7A  }
0x23: {  	s9 =	sor.u32 $0xD0000000, s2;
	s6 =	simm.s32 $0x108;
	_ =	swait.ge @!p0 [sflag:s8], $0x0  }
0x24: {  	s3 =	sadd.s32 $0x88, s3;
	s6 =	simm.s32 @!p1 $0x1082;
	[sflag:s4] =	ssyncset.s32 $0xFFFFF086  }
0x25: {  	[simem:s6], [sflag:s4] =	dma.local [hbm:s3], $0xF7A  }
0x26: {  	[smem:$0x3F9A] =	sst s1;
	(tag) =	ssettag s2;
	_ =	strace s9  }
0x27: {  	s1 =	sld [smem:$0x3FAA]  }
0x28: {  	s2 =	sld [smem:$0x3FAB]  }
0x29: {  	s4 =	sld [smem:$0x3FAD]  }
0x2a: {  	p0 =	seq.s32 s5, $0x0;
	s5 =	sld [smem:$0x3FAE]  }
0x2b: {  	s6 =	sld [smem:$0x3FAF]  }
0x2c: {  	s7 =	sld [smem:$0x3FB0]  }
0x2d: {  	s3 =	simm.s32 $0x108;
	s8 =	sld [smem:$0x3FB1]  }
0x2e: {  	s3 =	simm.s32 @!p0 $0x1082;
	s9 =	sld [smem:$0x3FB2]  }
0x2f: {  	lr =	sadd.s32 s0, s3;
	s0 =	sld [smem:$0x3FA9]  }
0x30: {  	s3 =	sld [smem:$0x3FAC]  }
0x31: {  	[smem:$0x3FB5] =	sst s10  }
0x32: {  	s10 =	sld [smem:$0x3FB3];
	_ =	sdelay $0x3  }
0x33: {  	p0 =	seq.s32 s10, $0x1;
	s10 =	sld [smem:$0x3FB5];
	_ =	sdelay $0x3  }
0x34: {  	[smem:$0x3FB5] =	sst s10  }
0x35: {  	s10 =	sld [smem:$0x3FB4];
	_ =	sdelay $0x3  }
0x36: {  	p1 =	seq.s32 s10, $0x1;
	s10 =	sld [smem:$0x3FB5];
	_ =	sdelay $0x3  }
0x37: {  	[smem:$0x3FB5] =	sst s10  }
0x38: {  	s10 =	sld [smem:$0x3FB6]  }
0x39: {  	_ = 	snop;
	(pc) =	sbr.ind lr, $3  }
0x3a: {  	_ = 	snop  }
0x3b: {  	_ = 	snop  }
0x3c: {  	p2 =	seq.s32 s10, $0x1;
	s10 =	sld [smem:$0x3FB5]  }
0x3d: {  	_ =	shalt  }
0x3e: {  	_ =	shalt  }
0x3f: {  	_ =	shalt  }
0x40: {  	_ =	shalt  }
0x41: {  	_ =	shalt  }
0x42: {  	_ =	shalt  }
0x43: {  	_ =	shalt  }
0x44: {  	_ =	shalt  }
0x45: {  	_ =	shalt  }
0x46: {  	_ =	shalt  }
0x47: {  	_ =	shalt  }
0x48: {  	_ =	shalt  }
0x49: {  	_ =	shalt  }
0x4a: {  	_ =	shalt  }
0x4b: {  	_ =	shalt  }
0x4c: {  	_ =	shalt  }
0x4d: {  	_ =	shalt  }
0x4e: {  	_ =	shalt  }
0x4f: {  	_ =	shalt  }
0x50: {  	_ =	shalt  }
0x51: {  	_ =	shalt  }
0x52: {  	_ =	shalt  }
0x53: {  	_ =	shalt  }
0x54: {  	_ =	shalt  }
0x55: {  	_ =	shalt  }
0x56: {  	_ =	shalt  }
0x57: {  	_ =	shalt  }
0x58: {  	_ =	shalt  }
0x59: {  	_ =	shalt  }
0x5a: {  	_ =	shalt  }
0x5b: {  	_ =	shalt  }
0x5c: {  	_ =	shalt  }
0x5d: {  	_ =	shalt  }
0x5e: {  	_ =	shalt  }
0x5f: {  	_ =	shalt  }
0x60: {  	_ =	shalt  }
0x61: {  	_ =	shalt  }
0x62: {  	_ =	shalt  }
0x63: {  	_ =	shalt  }
0x64: {  	_ =	shalt  }
0x65: {  	_ =	shalt  }
0x66: {  	_ =	shalt  }
0x67: {  	_ =	shalt  }
0x68: {  	_ =	shalt  }
0x69: {  	_ =	shalt  }
0x6a: {  	_ =	shalt  }
0x6b: {  	_ =	shalt  }
0x6c: {  	_ =	shalt  }
0x6d: {  	_ =	shalt  }
0x6e: {  	_ =	shalt  }
0x6f: {  	_ =	shalt  }
0x70: {  	_ =	shalt  }
0x71: {  	_ =	shalt  }
0x72: {  	_ =	shalt  }
0x73: {  	_ =	shalt  }
0x74: {  	_ =	shalt  }
0x75: {  	_ =	shalt  }
0x76: {  	_ =	shalt  }
0x77: {  	_ =	shalt  }
0x78: {  	_ =	shalt  }
0x79: {  	_ =	shalt  }
0x7a: {  	_ =	shalt  }
0x7b: {  	_ =	shalt  }
0x7c: {  	_ =	shalt  }
0x7d: {  	_ =	shalt  }
0x7e: {  	_ =	shalt  }
0x7f: {  	_ =	shalt  }
0x80: {  	_ =	shalt  }
0x81: {  	_ =	shalt  }
0x82: {  	_ =	shalt  }
0x83: {  	_ =	shalt  }
0x84: {  	_ =	shalt  }
0x85: {  	_ =	shalt  }
0x86: {  	_ =	shalt  }
0x87: {  	_ =	shalt  }
.Lfunc_end0:
.L_simem_size_0:
called_computation_lowered:
.L_overlay_start_0:
0x88: {  	s0 =	sld [smem:$0x3FD9]  }
0x89: {  	s1 =	sld [smem:$0x3FFE];
	_ =	sdelay $0x3  }
0x8a: {  	s0 =	sadd.s32 s1, s0  }
0x8b: {  	[smem:$0x3FC1] =	sst s0  }
0x8c: {  	_ = 	snop  }
0x8d: {  	(tm) =	ssettm $0x1  }
0x8e: {  	s15 =	sld [smem:$0x3FFB];
	_ =	sdelay $0x3  }
0x8f: {  	_ =	strace s15  }
0x90: {  	s0 =	sld [smem:$0x3FFC];
	_ =	sdelay $0x3  }
0x91: {  	_ =	strace s0  }
0x92: {  	s0 =	sld [smem:$0x3FFD];
	_ =	sdelay $0x3  }
0x93: {  	_ =	strace s0  }
0x94: {  	_ =	strace $0x8FFFFFFF  }
0x95: {  	s16 =	sld [smem:$0x3FDB];
	_ =	sdelay $0x1  }
0x96: {  	s17 =	simm.s32 $_scs_section_size  }
0x97: {  	s2 =	simm.s32 $_size__tile_overlayer_lowered;
	s3 =	simm.s32 $_tile_overlayer_lowered  }
0x98: {  	s20 =	simm.s32 $0x1BFF;
	s19 =	sshll.u32 s3, $0x1;
	s0 =	sadd.s32 s17, s16  }
0x99: {  	s4 =	simm.s32 $0x0;
	s18 =	sshll.u32 s2, $0x1;
	s2 =	sadd.s32 s19, s0  }
0x9a: {  	[timem:s4], [sflag:s20] =	dma.local [hbm:s2], s18  }
0x9b: {  	_ =	swait.ge [sflag:s20], s18  }
0x9c: {  	s1 =	ssub.s32 $0x0, s18;
	[sflag:s20] =	ssyncset.done $0x0  }
0x9d: {  	[sflag:s20] =	ssyncadd.s32 s1;
	_ =	sdelay $0x1  }
0x9e: {  	s21 =	simm.s32 $0x1B8B  }
0x9f: {  	_ =	swait.ge [sflag:s21], $0x1  }
0xa0: {  	[sflag:s21] =	ssyncset.done $0x0  }
0xa1: {  	s23 =	simm.s32 $0x1B8E;
	s22 =	sld [smem:$0x3FFE];
	[sflag:s21] =	ssyncadd.s32 $0xFFFFFFFF  }
0xa2: {  	s24 =	simm.s32 $execute0_lowered;
	[smem:$0x3FD2] =	sst s23  }
0xa3: {  	s2 =	sshll.u32 s24, $0x1;
	_ =	strace $0x80000046;
	[dreg:$0x1] =	wrdreg $0xFFFFFFFF  }
0xa4: {  	s25 =	simm.s32 $_size_execute0_lowered;
	s0 =	sadd.s32 s0, s2;
	[dreg:$0x0] =	wrdreg $0x0  }
0xa5: {  	s2 =	sshll.u32 s25, $0x1;
	[dreg:$0x2] =	wrdreg s0  }
0xa6: {  	[dreg:$0x3] =	wrdreg s2  }
0xa7: {  	[dreg:$0x4] =	wrdreg $0xC0  }
0xa8: {  	_ =	task [dreg:s4], $0x5FFFF  }
0xa9: {  	[dreg:$0x1] =	wrdreg $0xFFFFFFFF  }
0xaa: {  	[dreg:$0x0] =	wrdreg $0x60  }
0xab: {  	[dreg:$0x2] =	wrdreg s22  }
0xac: {  	[dreg:$0x3] =	wrdreg $0x9  }
0xad: {  	_ =	task.clear_ibuf [dreg:s4], $0x4FFFF;
	_ =	strace $0x90000046  }
0xae: {  	s26 =	simm.s32 $0x9;
	_ =	strace $0x80000048  }
0xaf: {  	_ =	swait.ge [sflag:s26], $0x1  }
0xb0: {  	[sflag:s26] =	ssyncadd.s32 $0xFFFFFFFF  }
0xb1: {  	_ =	strace $0x90000048  }
0xb2: {  	_ =	sfence  }
0xb3: {  	s28 =	sld [smem:$0x0];
	_ =	sdelay $0x1  }
0xb4: {  	s29 =	srdreg.scid  }
0xb5: {  	s30 =	sshll.u32 s29, $0xD;
	s31 =	sshrl.u32 s29, $0x2  }
0xb6: {  	s1 =	sand.u32 $0x1, s29;
	s2 =	sand.u32 $0x4000, s30;
	s0 =	sadd.s32 s31, s28  }
0xb7: {  	s1 =	sor.u32 s2, s1;
	s0 =	sshll.u32 s0, $0x11  }
0xb8: {  	s0 =	sor.u32 s0, s1  }
0xb9: {  	s0 =	sadd.s32 $0x8F2B, s0  }
0xba: {  	[sflag:s0] =	ssyncadd.remote.s32 $0x1  }
0xbb: {  	_ =	sfence.sel $0xFFFF  }
0xbc: {  	[dreg:$0x0] =	wrdreg $0xFFFFFFFF;
	(pc) =	sbr.abs _section_cstart, $3  }
0xbd: {  	[dreg:$0x1] =	wrdreg $0xFFFFFFFF  }
0xbe: {  	_ =	task.clear_ibuf [dreg:s4], $0x2FFFF;
	_ =	strace $0x9FFFFFFF  }
0xbf: {  	(tm) =	ssettm $0x7FFFFFFF  }
tec
execute0_lowered:
.L_overlay_start_1:
0x0: {  	(tag) =	ssettag $0x1  }
0x1: {  	s2 =	rddreg [dreg:$0x0]  }
0x2: {  	s0 =	rddreg [dreg:$0x1];
	_ =	strace $0x80000047;
	s3 =	stileid.u32  }
0x3: {  	s4 =	simm.s32 $0x3E;
	s1 =	sadd.s32 $0x20800, s2;
	p0 =	sne.s32 s3, $0x0  }
0x4: {  	[sflag:s4] =	ssyncpa.u1 $0x0;
	s5 =	simm.s32 @!p0 $0x1C3E;
	s6 =	simm.s32 @!p0 $0x0  }
0x5: {  	[spmem:s6], [sflag:s5] =	dma.local @!p0 [hbm:s1], $0x10  }
0x6: {  	s5 =	simm.s32 @!p0 $0x3E  }
0x7: {  	_ =	swait.ge @!p0 [sflag:s5], $0x10  }
0x8: {  	[sflag:s5] =	ssyncset.done @!p0 $0x0  }
0x9: {  	s26 =	simm.s32 $0x1;
	[sflag:s5] =	ssyncadd.s32 @!p0 $0xFFFFFFF0  }
0xa: {  	s29 =	simm.s32 $0x2;
	s7 =	simm.s32 $0x408;
	[bflag:$0x0] =	sbarrier.arrive $0xFFFF  }
0xb: {  	s28 =	sadd.s32 $0x20000, s2;
	s30 =	sadd.s32 $0x20A00, s2;
	[sflag:s4] =	ssyncpa.u1 $0x1  }
0xc: {  	s3 =	sshll.u32 s3, $0x7;
	s2 =	simm.s32 $0x0;
	[sflag:s26] =	ssyncpa.u1 $0x0  }
0xd: {  	s4 =	sadd.s32 s28, s3;
	(ifvalue) =	ssetifvalue $0x80;
	[sflag:s29] =	ssyncpa.u1 $0x0  }
0xe: {  	[tilespmem:s7], [sflag:$0x2] =	stream.linear.gather [hbm4b:s4+s2], $0x400, $0x38;
	[tilespmem:$0x1008] =	vst v63  }
0xf: {  	s31 =	sadd.s32 s30, s3;
	s3 =	simm.s32 $0xC08  }
0x10: {  	[tilespmem:s3], [sflag:$0x2] =	stream.linear.gather [hbm4b:s31+s2], $0x400, $0x38;
	[tilespmem:$0x1008] =	vst v63  }
0x11: {  	_ =	swait.ge [sflag:s29], $0x800  }
0x12: {  	[sflag:s29] =	ssyncset.done $0x0  }
0x13: {  	[sflag:s29] =	ssyncadd.s32 $0xFFFFF800  }
0x14: {  	v0 =	vld.msk [tilespmem:s7+$0x0 ss:$0x1], $0xffff;
	_ =	sdelay $0x4  }
0x15: {  	v0 =	vmin.u32 v0, $0x80;
	_ =	sdelay $0x3  }
0x16: {  	vm0 =	vmmov $0xffff;
	s5 =	simm.s32 $0x418;
	s4 =	simm.s32 $0x0  }
0x17: {  	[spmem:s2] =	stream.indirect_vreg.scatter.add.s32 [tilespmem:s3], [sflag:$0x1], $0x1, v0, vm0, $0x4038;
	[tilespmem:$0x1008] =	vst v63  }
.LBB2_1:
0x18: {  	v0 =	vld.msk [tilespmem:s5+$0x0 ss:$0x1], $0xffff;
	s4 =	sadd.s32 $0x10, s4  }
0x19: {  	p1 =	slt.u32 s4, $0x3F0;
	_ =	sdelay $0x4  }
0x1a: {  	v0 =	vmin.u32 v0, $0x80  }
.Ltmp0:
0x1b: {  	(pc) =	sbr.rel @p1 .LBB2_1-.Ltmp0, $3  }
0x1c: {  	_ =	sdelay $0x1  }
0x1d: {  	s5 =	sadd.s32 $0x10, s5;
	s3 =	sadd.s32 $0x10, s3  }
0x1e: {  	[spmem:s2] =	stream.indirect_vreg.scatter.add.s32 [tilespmem:s3], [sflag:$0x1], $0x1, v0, vm0, $0x4038;
	[tilespmem:$0x1008] =	vst v63  }
0x1f: {  	s2 =	simm.s32 $0x1  }
0x20: {  	_ =	swait.ge [sflag:s2], $0x400  }
0x21: {  	[sflag:s2] =	ssyncset.done $0x0  }
0x22: {  	[sflag:s2] =	ssyncadd.s32 $0xFFFFFC00  }
0x23: {  	_ =	sfence.sel $0x180000  }
0x24: {  	s3 =	simm.s32 $0x2;
	[bflag:$0x0] =	sbarrier.arrive $0xFFFF  }
0x25: {  	[sflag:s3] =	ssyncpa.u1 $0x1  }
0x26: {  	[sflag:s2] =	ssyncpa.u1 $0x1  }
0x27: {  	_ =	sfence.stream.spmem  }
0x28: {  	s31 =	simm.s32 $0x3D;
	[bflag:$0x0] =	sbarrier.arrive $0xFFFF  }
0x29: {  	s2 =	simm.s32 @p0 $0x3D;
	[sflag:s31] =	ssyncpa.u1 $0x0  }
0x2a: {  	[sflag:s2] =	ssyncpa.u1 @p0 $0x1  }
0x2b: {  	[bflag:$0x0] =	sbarrier.arrive @p0 $0xFFFF  }
0x2c: {  	_ =	strace @p0 $0x90000047  }
0x2d: {  	s3 =	simm.s32 @!p0 $0x1C3D;
	s2 =	simm.s32 @!p0 $0x0;
	[bflag:$0x2] =	sbarrier.arrive @p0 $0xFFFF  }
0x2e: {  	[hbm:s1], [sflag:s3] =	dma.local @!p0 [spmem:s2], $0x10  }
0x2f: {  	s1 =	simm.s32 @!p0 $0x3D  }
0x30: {  	_ =	swait.ge @!p0 [sflag:s1], $0x10  }
0x31: {  	[sflag:s1] =	ssyncset.done @!p0 $0x0  }
0x32: {  	[sflag:s1] =	ssyncadd.s32 @!p0 $0xFFFFFFF0  }
0x33: {  	[sflag:s1] =	ssyncpa.u1 @!p0 $0x1  }
0x34: {  	[bflag:$0x0] =	sbarrier.arrive @!p0 $0xFFFF  }
0x35: {  	_ =	strace @!p0 $0x90000047  }
0x36: {  	s0 =	sadd.s32 @!p0 $0x100000, s0;
	[bflag:$0x2] =	sbarrier.arrive @!p0 $0xFFFF  }
0x37: {  	[sflag:s0] =	ssyncadd.tile.s32 @!p0 $0x1;
	_ =	shalt  }
.Lfunc_end2:
_tile_overlayer_lowered:
.L_overlay_start_2:
0x38: {  	(tag) =	ssettag $0x2  }
0x39: {  	s0 =	rddreg [dreg:$0x0];
	s2 =	stileid.u32  }
0x3a: {  	s1 =	rddreg [dreg:$0x1];
	p0 =	sne.s32 s2, $0x0  }
0x3b: {  	s3 =	rddreg [dreg:$0x2];
	[bflag:$0x3] =	sbarrier.arrive $0xFFFF;
	s2 =	simm.s32 @!p0 $0x1C01  }
0x3c: {  	[timem:s3], [sflag:s2] =	dma.local @!p0 [hbm:s0], s1  }
0x3d: {  	s0 =	simm.s32 @!p0 $0x1  }
0x3e: {  	_ =	swait.ge @!p0 [sflag:s0], s1  }
0x3f: {  	s1 =	ssub.s32 @!p0 $0x0, s1;
	[sflag:s0] =	ssyncset.done @!p0 $0x0  }
0x40: {  	[sflag:s0] =	ssyncadd.s32 @!p0 s1  }
0x41: {  	[bflag:$0x3] =	sbarrier.arrive $0xFFFF  }
0x42: {  	_ =	shalt  }

</sc_bundles>
